<compile_context>
chip_gen: v7x
topology: tpu7x:2x2x1
jax: 0.10.2.dev20260603
libtpu: 0.0.44.dev20260713+nightly
codegen_flags: <defaults>
</compile_context>

<pallas_src>
import functools

import jax
import jax.numpy as jnp
from jax.experimental import pallas as pl
from jax.experimental.pallas import tpu as pltpu
from jax.experimental.pallas import tpu_sc as plsc

_LANES = 16


@jax.jit
def kernel(x, token_table, pos_table):
    B, L = x.shape
    V, D = token_table.shape
    N = B * L
    W = 8 * L

    x_flat = x.reshape(N).astype(jnp.int32)

    @functools.partial(
        pl.kernel,
        out_type=jax.ShapeDtypeStruct((N, D), jnp.float32),
        mesh=plsc.VectorSubcoreMesh(
            core_axis_name="core", subcore_axis_name="subcore"
        ),
        scratch_types=[pltpu.VMEM((L, D), jnp.float32)],
        compiler_params=pltpu.CompilerParams(use_tc_tiling_on_sc=False),
    )
    def sc_embed(tok_hbm, idx_hbm, pos_hbm, out_hbm, pos_vmem):
        pltpu.sync_copy(pos_hbm, pos_vmem)

        def body(i_vmem, o_vmem):
            pltpu.sync_copy(tok_hbm.at[i_vmem], o_vmem)

            @pl.loop(0, L)
            def _(l):
                for c in range(0, D, _LANES):
                    p = pos_vmem[l, pl.ds(c, _LANES)]
                    for s in range(W // L):
                        plsc.addupdate(
                            o_vmem.at[s * L + l, pl.ds(c, _LANES)], p
                        )

        pltpu.emit_pipeline(
            body,
            grid=(N // W,),
            in_specs=[pl.BlockSpec((W,), lambda i: (i,))],
            out_specs=[pl.BlockSpec((W, D), lambda i: (i, 0))],
            core_axis_name=("core", "subcore"),
            dimension_semantics=(pltpu.PARALLEL,),
        )(idx_hbm, out_hbm)

    flat = sc_embed(token_table, x_flat, pos_table)

    x3 = flat.reshape(B, L, D)
    BB, LB = 512, 8

    def tc_body(in_ref, out_ref):
        out_ref[...] = jnp.transpose(in_ref[...], (1, 2, 0))

    out3 = pl.pallas_call(
        tc_body,
        grid=(B // BB, L // LB),
        in_specs=[pl.BlockSpec((BB, LB, D), lambda i, j: (i, j, 0))],
        out_specs=pl.BlockSpec((LB, D, BB), lambda i, j: (j, 0, i)),
        out_shape=jax.ShapeDtypeStruct((L, D, B), jnp.float32),
    )(x3)
    return out3.transpose(2, 0, 1)

# --- scband reference (transcript-rebuilt; emitter-appended) ---
"""Pipeline reference for scband-token-and-position-embedding-54193897341047 (READ-ONLY COPY).

The authoritative reference and input builder live on the scoring server;
editing this copy changes nothing except your own understanding.
"""

import jax, jax.numpy as jnp
import numpy as np

MAXLEN = 200
VOCAB_SIZE = 1000000
EMBED_DIM = 32
BATCH = 4096

def setup_inputs(seed: int = 0) -> dict:
    key = jax.random.key(seed)
    k1, k2, k3 = jax.random.split(key, 3)
    x = jax.random.randint(k1, (BATCH, MAXLEN), 0, VOCAB_SIZE, dtype=jnp.int64 if jax.config.jax_enable_x64 else jnp.int32)
    token_table = jax.random.normal(k2, (VOCAB_SIZE, EMBED_DIM), dtype=jnp.float32) * 0.02
    pos_table = jax.random.normal(k3, (MAXLEN, EMBED_DIM), dtype=jnp.float32) * 0.02
    return {"x": x, "token_table": token_table, "pos_table": pos_table}

def reference(x, token_table, pos_table):
    # TokenAndPositionEmbedding.call:
    #   positions = range(maxlen); pos = pos_emb(positions)
    #   tok = token_emb(x)
    #   return tok + pos
    maxlen = x.shape[-1]
    positions = jnp.arange(0, maxlen)
    pos = jnp.take(pos_table, positions, axis=0)  # [maxlen, embed_dim]
    tok = jnp.take(token_table, x, axis=0)        # [B, maxlen, embed_dim]
    return tok + pos[None, :, :]

if __name__ == "__main__":
    import jax
    _d = setup_inputs()
    print(jax.jit(kernel)(*tuple(_d.values())))

</pallas_src>

<mosaic_0001>
#map = affine_map<(d0, d1) -> (0, 0)>
#map1 = affine_map<(d0, d1) -> (0)>
module attributes {stable_mosaic.version = 14 : i64} {
  func.func @sc_embed(%arg0: i32, %arg1: i32, %arg2: memref<1000000x32xf32, #tpu.memory_space<hbm>>, %arg3: memref<819200xi32, #tpu.memory_space<hbm>>, %arg4: memref<200x32xf32, #tpu.memory_space<hbm>>, %arg5: memref<819200x32xf32, #tpu.memory_space<hbm>>, %arg6: memref<200x32xf32, #tpu.memory_space<vmem>>) attributes {dimension_semantics = [#tpu.dimension_semantics<core_parallel>, #tpu.dimension_semantics<subcore_parallel>], iteration_bounds = array<i64: 2, 16>, scalar_prefetch = 0 : i64, scratch_operands = 1 : i64, tpu.core_type = #tpu.core_type<sc_vector_subcore>, window_params = [{transform_indices = #map}, {transform_indices = #map1}, {transform_indices = #map}, {transform_indices = #map}]} {
    "tpu.region"() ({
      %run_scoped3A = tpu.sem_alloc : memref<!tpu.dma_semaphore, #tpu.memory_space<semaphore_mem>>
      tpu.enqueue_dma source(%arg4 : memref<200x32xf32, #tpu.memory_space<hbm>>) target(%arg6 : memref<200x32xf32, #tpu.memory_space<vmem>>) target_semaphore(%run_scoped3A : memref<!tpu.dma_semaphore, #tpu.memory_space<semaphore_mem>>)
      tpu.wait_dma2 semaphore(%run_scoped3A : memref<!tpu.dma_semaphore, #tpu.memory_space<semaphore_mem>>) src(%arg4 : memref<200x32xf32, #tpu.memory_space<hbm>>) dst(%arg6 : memref<200x32xf32, #tpu.memory_space<vmem>>)
      tpu.yield
    }) : () -> ()
    %mul3A = arith.constant 1 : i32
    %mul3A_0 = arith.muli %arg1, %mul3A : i32
    %add3A = arith.constant 0 : i32
    %add3A_1 = arith.addi %add3A, %mul3A_0 : i32
    %mul3A_2 = arith.constant 16 : i32
    %mul3A_3 = arith.muli %arg0, %mul3A_2 : i32
    %add3A_4 = arith.addi %add3A_1, %mul3A_3 : i32
    %mul3A_5 = arith.constant 16 : i32
    %mul3A_6 = arith.muli %add3A_4, %mul3A_5 : i32
    "tpu.region"() ({
      %run_scoped3A = memref.alloca() : memref<3200xi32, #tpu.memory_space<vmem>>
      %run_scoped3A_7 = tpu.sem_alloc : memref<2x!tpu.dma_semaphore, #tpu.memory_space<semaphore_mem>>
      %run_scoped3A_8 = memref.alloca() : memref<2x1600x32xf32, #tpu.memory_space<vmem>>
      %run_scoped3A_9 = tpu.sem_alloc : memref<2x!tpu.dma_semaphore, #tpu.memory_space<semaphore_mem>>
      %add3A_10 = arith.constant 0 : i32
      %add3A_11 = arith.addi %add3A_10, %mul3A_6 : i32
      %select_n3A = arith.constant true
      %select_n3A_12 = arith.constant 0 : i32
      %select_n3A_13 = arith.constant -1 : i32
      %select_n3A_14 = arith.select %select_n3A, %select_n3A_13, %select_n3A_12 : i32
      %eq3A = arith.constant -1 : i32
      %eq3A_15 = arith.cmpi eq, %select_n3A_14, %eq3A : i32
      %select_n3A_16 = arith.constant 15 : i32
      %select_n3A_17 = arith.select %eq3A_15, %select_n3A_16, %select_n3A_14 : i32
      %add3A_18 = arith.addi %select_n3A_17, %mul3A_6 : i32
      %select_n3A_19 = arith.constant true
      %select_n3A_20 = arith.constant 0 : i32
      %select_n3A_21 = arith.constant 1 : i32
      %select_n3A_22 = arith.select %select_n3A_19, %select_n3A_21, %select_n3A_20 : i32
      %eq3A_23 = arith.constant 16 : i32
      %eq3A_24 = arith.cmpi eq, %select_n3A_22, %eq3A_23 : i32
      %select_n3A_25 = arith.constant 0 : i32
      %select_n3A_26 = arith.select %eq3A_24, %select_n3A_25, %select_n3A_22 : i32
      %add3A_27 = arith.addi %select_n3A_26, %mul3A_6 : i32
      %add3A_28 = arith.constant 1 : i32
      %add3A_29 = arith.addi %select_n3A_26, %add3A_28 : i32
      %select_n3A_30 = arith.constant true
      %select_n3A_31 = arith.select %select_n3A_30, %add3A_29, %select_n3A_26 : i32
      %eq3A_32 = arith.constant 16 : i32
      %eq3A_33 = arith.cmpi eq, %select_n3A_31, %eq3A_32 : i32
      %select_n3A_34 = arith.constant 0 : i32
      %select_n3A_35 = arith.select %eq3A_33, %select_n3A_34, %select_n3A_31 : i32
      %add3A_36 = arith.addi %select_n3A_35, %mul3A_6 : i32
      "tpu.trace_start"() <{level = 10 : i32, message = "ep_initialize_0"}> : () -> ()
      %rem3A = arith.constant 0 : i32
      %rem3A_37 = arith.constant 2 : i32
      %rem3A_38 = arith.remui %rem3A, %rem3A_37 : i32
      %mul3A_39 = arith.constant 1600 : i32
      %mul3A_40 = arith.muli %mul3A_39, %add3A_11 : i32
      %mul3A_41 = arith.constant 1600 : i32
      %mul3A_42 = arith.muli %rem3A_38, %mul3A_41 : i32
      %add3A_43 = arith.constant 0 : i32
      %add3A_44 = arith.addi %mul3A_42, %add3A_43 : i32
      %dma_start3A = tpu.memref_slice %run_scoped3A[%add3A_44] : memref<3200xi32, #tpu.memory_space<vmem>> -> memref<1600xi32, #tpu.memory_space<vmem>>
      %dma_start3A_45 = tpu.memref_slice %arg3[%mul3A_40] : memref<819200xi32, #tpu.memory_space<hbm>> -> memref<1600xi32, #tpu.memory_space<hbm>>
      %dma_start3A_46 = tpu.memref_slice %run_scoped3A_7[%rem3A_38] : memref<2x!tpu.dma_semaphore, #tpu.memory_space<semaphore_mem>> -> memref<1x!tpu.dma_semaphore, #tpu.memory_space<semaphore_mem>>
      %dma_start3A_47 = tpu.memref_squeeze %dma_start3A_46 : memref<1x!tpu.dma_semaphore, #tpu.memory_space<semaphore_mem>> -> memref<!tpu.dma_semaphore, #tpu.memory_space<semaphore_mem>>
      %dma_start3A_48 = tpu.memref_slice %run_scoped3A[%add3A_44] : memref<3200xi32, #tpu.memory_space<vmem>> -> memref<1600xi32, #tpu.memory_space<vmem>>
      %dma_start3A_49 = tpu.memref_slice %arg3[%mul3A_40] : memref<819200xi32, #tpu.memory_space<hbm>> -> memref<1600xi32, #tpu.memory_space<hbm>>
      tpu.enqueue_dma source(%dma_start3A_49 : memref<1600xi32, #tpu.memory_space<hbm>>) target(%dma_start3A_48 : memref<1600xi32, #tpu.memory_space<vmem>>) target_semaphore(%dma_start3A_47 : memref<!tpu.dma_semaphore, #tpu.memory_space<semaphore_mem>>)
      %add3A_50 = arith.constant 0 : i32
      %add3A_51 = arith.constant 1 : i32
      %add3A_52 = arith.addi %add3A_50, %add3A_51 : i32
      %select_n3A_53 = arith.constant true
      %select_n3A_54 = arith.constant 0 : i32
      %select_n3A_55 = arith.select %select_n3A_53, %add3A_52, %select_n3A_54 : i32
      "tpu.trace_stop"() : () -> ()
      %scan3A = arith.constant 0 : i32
      %scan3A_56 = arith.constant 0 : i32
      %scan3A_57 = arith.constant 0 : i32
      %scan3A_58 = arith.constant 0 : i32
      %scan3A_59 = arith.constant 0 : i32
      %scan3A_60 = arith.constant 16 : i32
      %scan3A_61 = arith.addi %scan3A_59, %scan3A_60 : i32
      %scan3A_62 = arith.constant 1 : i32
      %scan3A_63:5 = scf.for %scan3A_117 = %scan3A_59 to %scan3A_61 step %scan3A_62 iter_args(%scan3A_118 = %select_n3A_55, %scan3A_119 = %scan3A, %scan3A_120 = %scan3A_56, %scan3A_121 = %scan3A_57, %scan3A_122 = %scan3A_58) -> (i32, i32, i32, i32, i32)  : i32 {
        %eq3A_123 = arith.constant 0 : i32
        %eq3A_124 = arith.cmpi eq, %scan3A_117, %eq3A_123 : i32
        %eq3A_125 = arith.constant 15 : i32
        %eq3A_126 = arith.cmpi eq, %scan3A_117, %eq3A_125 : i32
        %add3A_127 = arith.addi %scan3A_122, %mul3A_6 : i32
        %sub3A_128 = arith.constant 1 : i32
        %sub3A_129 = arith.subi %scan3A_122, %sub3A_128 : i32
        %select_n3A_130 = arith.constant true
        %select_n3A_131 = arith.select %select_n3A_130, %sub3A_129, %scan3A_122 : i32
        %eq3A_132 = arith.constant -1 : i32
        %eq3A_133 = arith.cmpi eq, %select_n3A_131, %eq3A_132 : i32
        %select_n3A_134 = arith.constant 15 : i32
        %select_n3A_135 = arith.select %eq3A_133, %select_n3A_134, %select_n3A_131 : i32
        %add3A_136 = arith.addi %select_n3A_135, %mul3A_6 : i32
        %add3A_137 = arith.constant 1 : i32
        %add3A_138 = arith.addi %scan3A_122, %add3A_137 : i32
        %select_n3A_139 = arith.constant true
        %select_n3A_140 = arith.select %select_n3A_139, %add3A_138, %scan3A_122 : i32
        %eq3A_141 = arith.constant 16 : i32
        %eq3A_142 = arith.cmpi eq, %select_n3A_140, %eq3A_141 : i32
        %select_n3A_143 = arith.constant 0 : i32
        %select_n3A_144 = arith.select %eq3A_142, %select_n3A_143, %select_n3A_140 : i32
        %add3A_145 = arith.addi %select_n3A_144, %mul3A_6 : i32
        %add3A_146 = arith.constant 1 : i32
        %add3A_147 = arith.addi %select_n3A_144, %add3A_146 : i32
        %select_n3A_148 = arith.constant true
        %select_n3A_149 = arith.select %select_n3A_148, %add3A_147, %select_n3A_144 : i32
        %eq3A_150 = arith.constant 16 : i32
        %eq3A_151 = arith.cmpi eq, %select_n3A_149, %eq3A_150 : i32
        %select_n3A_152 = arith.constant 0 : i32
        %select_n3A_153 = arith.select %eq3A_151, %select_n3A_152, %select_n3A_149 : i32
        %add3A_154 = arith.addi %select_n3A_153, %mul3A_6 : i32
        %ne3A = arith.cmpi ne, %add3A_127, %add3A_145 : i32
        %or3A = arith.constant false
        %or3A_155 = arith.ori %or3A, %ne3A : i1
        %ge3A = arith.constant 15 : i32
        %ge3A_156 = arith.cmpi sge, %scan3A_117, %ge3A : i32
        %not3A = arith.constant true
        %not3A_157 = arith.xori %ge3A_156, %not3A : i1
        %and3A = arith.andi %or3A_155, %not3A_157 : i1
        %convert_element_type3A = arith.extui %and3A : i1 to i32
        %cond3A = arith.constant 0 : i32
        %cond3A_158 = arith.cmpi ne, %convert_element_type3A, %cond3A : i32
        scf.if %cond3A_158 {
          "tpu.trace_start"() <{level = 10 : i32, message = "ep_copy_in"}> : () -> ()
          %rem3A_266 = arith.constant 2 : i32
          %rem3A_267 = arith.remui %scan3A_118, %rem3A_266 : i32
          %mul3A_268 = arith.constant 1600 : i32
          %mul3A_269 = arith.muli %mul3A_268, %add3A_145 : i32
          %mul3A_270 = arith.constant 1600 : i32
          %mul3A_271 = arith.muli %rem3A_267, %mul3A_270 : i32
          %add3A_272 = arith.constant 0 : i32
          %add3A_273 = arith.addi %mul3A_271, %add3A_272 : i32
          %dma_start3A_274 = tpu.memref_slice %run_scoped3A[%add3A_273] : memref<3200xi32, #tpu.memory_space<vmem>> -> memref<1600xi32, #tpu.memory_space<vmem>>
          %dma_start3A_275 = tpu.memref_slice %arg3[%mul3A_269] : memref<819200xi32, #tpu.memory_space<hbm>> -> memref<1600xi32, #tpu.memory_space<hbm>>
          %dma_start3A_276 = tpu.memref_slice %run_scoped3A_7[%rem3A_267] : memref<2x!tpu.dma_semaphore, #tpu.memory_space<semaphore_mem>> -> memref<1x!tpu.dma_semaphore, #tpu.memory_space<semaphore_mem>>
          %dma_start3A_277 = tpu.memref_squeeze %dma_start3A_276 : memref<1x!tpu.dma_semaphore, #tpu.memory_space<semaphore_mem>> -> memref<!tpu.dma_semaphore, #tpu.memory_space<semaphore_mem>>
          %dma_start3A_278 = tpu.memref_slice %run_scoped3A[%add3A_273] : memref<3200xi32, #tpu.memory_space<vmem>> -> memref<1600xi32, #tpu.memory_space<vmem>>
          %dma_start3A_279 = tpu.memref_slice %arg3[%mul3A_269] : memref<819200xi32, #tpu.memory_space<hbm>> -> memref<1600xi32, #tpu.memory_space<hbm>>
          tpu.enqueue_dma source(%dma_start3A_279 : memref<1600xi32, #tpu.memory_space<hbm>>) target(%dma_start3A_278 : memref<1600xi32, #tpu.memory_space<vmem>>) target_semaphore(%dma_start3A_277 : memref<!tpu.dma_semaphore, #tpu.memory_space<semaphore_mem>>)
          "tpu.trace_stop"() : () -> ()
        } else {
        }
        %and3A_159 = arith.constant true
        %and3A_160 = arith.andi %and3A, %and3A_159 : i1
        %add3A_161 = arith.constant 1 : i32
        %add3A_162 = arith.addi %scan3A_118, %add3A_161 : i32
        %select_n3A_163 = arith.select %and3A_160, %add3A_162, %scan3A_118 : i32
        %ne3A_164 = arith.cmpi ne, %add3A_127, %add3A_145 : i32
        %or3A_165 = arith.constant false
        %or3A_166 = arith.ori %or3A_165, %ne3A_164 : i1
        %or3A_167 = arith.constant false
        %or3A_168 = arith.ori %or3A_166, %or3A_167 : i1
        %ge3A_169 = arith.constant 15 : i32
        %ge3A_170 = arith.cmpi sge, %scan3A_117, %ge3A_169 : i32
        %not3A_171 = arith.constant true
        %not3A_172 = arith.xori %ge3A_170, %not3A_171 : i1
        %and3A_173 = arith.andi %or3A_168, %not3A_172 : i1
        %ne3A_174 = arith.cmpi ne, %add3A_127, %add3A_136 : i32
        %or3A_175 = arith.constant false
        %or3A_176 = arith.ori %or3A_175, %ne3A_174 : i1
        %or3A_177 = arith.ori %or3A_176, %eq3A_124 : i1
        %convert_element_type3A_178 = arith.extui %or3A_177 : i1 to i32
        %cond3A_179 = arith.constant 0 : i32
        %cond3A_180 = arith.cmpi ne, %convert_element_type3A_178, %cond3A_179 : i32
        scf.if %cond3A_180 {
          "tpu.trace_start"() <{level = 10 : i32, message = "ep_wait_in"}> : () -> ()
          %mul3A_266 = arith.constant 1600 : i32
          %mul3A_267 = arith.muli %mul3A_266, %add3A_127 : i32
          %rem3A_268 = arith.constant 2 : i32
          %rem3A_269 = arith.remui %scan3A_119, %rem3A_268 : i32
          %mul3A_270 = arith.constant 1600 : i32
          %mul3A_271 = arith.muli %rem3A_269, %mul3A_270 : i32
          %add3A_272 = arith.constant 0 : i32
          %add3A_273 = arith.addi %mul3A_271, %add3A_272 : i32
          %dma_wait3A_274 = tpu.memref_slice %run_scoped3A[%add3A_273] : memref<3200xi32, #tpu.memory_space<vmem>> -> memref<1600xi32, #tpu.memory_space<vmem>>
          %dma_wait3A_275 = tpu.memref_slice %arg3[%mul3A_267] : memref<819200xi32, #tpu.memory_space<hbm>> -> memref<1600xi32, #tpu.memory_space<hbm>>
          %dma_wait3A_276 = tpu.memref_slice %run_scoped3A_7[%rem3A_269] : memref<2x!tpu.dma_semaphore, #tpu.memory_space<semaphore_mem>> -> memref<1x!tpu.dma_semaphore, #tpu.memory_space<semaphore_mem>>
          %dma_wait3A_277 = tpu.memref_squeeze %dma_wait3A_276 : memref<1x!tpu.dma_semaphore, #tpu.memory_space<semaphore_mem>> -> memref<!tpu.dma_semaphore, #tpu.memory_space<semaphore_mem>>
          %dma_wait3A_278 = tpu.memref_slice %run_scoped3A[%add3A_273] : memref<3200xi32, #tpu.memory_space<vmem>> -> memref<1600xi32, #tpu.memory_space<vmem>>
          %dma_wait3A_279 = tpu.memref_slice %arg3[%mul3A_267] : memref<819200xi32, #tpu.memory_space<hbm>> -> memref<1600xi32, #tpu.memory_space<hbm>>
          tpu.wait_dma2 semaphore(%dma_wait3A_277 : memref<!tpu.dma_semaphore, #tpu.memory_space<semaphore_mem>>) src(%dma_wait3A_279 : memref<1600xi32, #tpu.memory_space<hbm>>) dst(%dma_wait3A_278 : memref<1600xi32, #tpu.memory_space<vmem>>)
          "tpu.trace_stop"() : () -> ()
        } else {
        }
        %ne3A_181 = arith.cmpi ne, %add3A_127, %add3A_136 : i32
        %or3A_182 = arith.constant false
        %or3A_183 = arith.ori %or3A_182, %ne3A_181 : i1
        %or3A_184 = arith.constant false
        %or3A_185 = arith.ori %or3A_183, %or3A_184 : i1
        %or3A_186 = arith.ori %or3A_185, %eq3A_124 : i1
        %convert_element_type3A_187 = arith.extui %or3A_186 : i1 to i32
        %cond3A_188 = arith.constant 0 : i32
        %cond3A_189 = arith.cmpi ne, %convert_element_type3A_187, %cond3A_188 : i32
        scf.if %cond3A_189 {
        } else {
        }
        %rem3A_190 = arith.constant 2 : i32
        %rem3A_191 = arith.remui %scan3A_119, %rem3A_190 : i32
        %mul3A_192 = arith.constant 1600 : i32
        %mul3A_193 = arith.muli %rem3A_191, %mul3A_192 : i32
        %rem3A_194 = arith.constant 2 : i32
        %rem3A_195 = arith.remui %scan3A_120, %rem3A_194 : i32
        "tpu.trace_start"() <{level = 10 : i32, message = "ep_run_kernel"}> : () -> ()
        "tpu.region"() ({
          %run_scoped3A_266 = tpu.sem_alloc : memref<!tpu.dma_semaphore, #tpu.memory_space<semaphore_mem>>
          %dma_start3A_267 = arith.constant 0 : i32
          %dma_start3A_268 = arith.constant 0 : i32
          %dma_start3A_269 = tpu.memref_slice %run_scoped3A_8[%rem3A_195, %dma_start3A_267, %dma_start3A_268] : memref<2x1600x32xf32, #tpu.memory_space<vmem>> -> memref<1x1600x32xf32, #tpu.memory_space<vmem>>
          %dma_start3A_270 = tpu.memref_squeeze %dma_start3A_269 : memref<1x1600x32xf32, #tpu.memory_space<vmem>> -> memref<1600x32xf32, #tpu.memory_space<vmem>>
          %dma_start3A_271 = tpu.memref_slice %run_scoped3A[%mul3A_193] : memref<3200xi32, #tpu.memory_space<vmem>> -> memref<1600xi32, #tpu.memory_space<vmem>>
          %dma_start3A_272 = arith.constant 0 : i32
          %dma_start3A_273 = arith.constant 0 : i32
          %dma_start3A_274 = tpu.memref_slice %arg2[%dma_start3A_272, %dma_start3A_273] : memref<1000000x32xf32, #tpu.memory_space<hbm>> -> memref<1000000x32xf32, #tpu.memory_space<hbm>>
          tpu.enqueue_indirect_dma source(%dma_start3A_274 : memref<1000000x32xf32, #tpu.memory_space<hbm>>) target(%dma_start3A_270 : memref<1600x32xf32, #tpu.memory_space<vmem>>) offsets(%dma_start3A_271 : memref<1600xi32, #tpu.memory_space<vmem>>) semaphore(%run_scoped3A_266 : memref<!tpu.dma_semaphore, #tpu.memory_space<semaphore_mem>>)
          %dma_wait3A_275 = arith.constant 0 : i32
          %dma_wait3A_276 = arith.constant 0 : i32
          %dma_wait3A_277 = tpu.memref_slice %run_scoped3A_8[%rem3A_195, %dma_wait3A_275, %dma_wait3A_276] : memref<2x1600x32xf32, #tpu.memory_space<vmem>> -> memref<1x1600x32xf32, #tpu.memory_space<vmem>>
          %dma_wait3A_278 = tpu.memref_squeeze %dma_wait3A_277 : memref<1x1600x32xf32, #tpu.memory_space<vmem>> -> memref<1600x32xf32, #tpu.memory_space<vmem>>
          %dma_wait3A_279 = tpu.memref_slice %run_scoped3A[%mul3A_193] : memref<3200xi32, #tpu.memory_space<vmem>> -> memref<1600xi32, #tpu.memory_space<vmem>>
          %dma_wait3A_280 = arith.constant 0 : i32
          %dma_wait3A_281 = arith.constant 0 : i32
          %dma_wait3A_282 = tpu.memref_slice %arg2[%dma_wait3A_280, %dma_wait3A_281] : memref<1000000x32xf32, #tpu.memory_space<hbm>> -> memref<1000000x32xf32, #tpu.memory_space<hbm>>
          tpu.wait_indirect_dma semaphore(%run_scoped3A_266 : memref<!tpu.dma_semaphore, #tpu.memory_space<semaphore_mem>>) src(%dma_wait3A_282 : memref<1000000x32xf32, #tpu.memory_space<hbm>>) dst(%dma_wait3A_278 : memref<1600x32xf32, #tpu.memory_space<vmem>>)
          tpu.yield
        }) : () -> ()
        %scan3A_196 = arith.constant 0 : i32
        %scan3A_197 = arith.constant 200 : i32
        %scan3A_198 = arith.addi %scan3A_196, %scan3A_197 : i32
        %scan3A_199 = arith.constant 1 : i32
        scf.for %scan3A_266 = %scan3A_196 to %scan3A_198 step %scan3A_199  : i32 {
          %mul3A_267 = arith.constant 1 : i32
          %mul3A_268 = arith.muli %scan3A_266, %mul3A_267 : i32
          %add3A_269 = arith.constant 0 : i32
          %add3A_270 = arith.addi %add3A_269, %mul3A_268 : i32
          %get3A = arith.index_cast %add3A_270 : i32 to index
          %get3A_271 = arith.constant 0 : index
          %get3A_272 = tpu.vector_load %arg6[%get3A, %get3A_271] {strides = array<i32>} : memref<200x32xf32, #tpu.memory_space<vmem>>, vector<1x16xf32>,
          %get3A_273 = vector.shape_cast %get3A_272 : vector<1x16xf32> to vector<16xf32>
          %add3A_274 = arith.constant 0 : i32
          %add3A_275 = arith.addi %add3A_274, %add3A_270 : i32
          %swap3A = arith.constant 0 : i32
          %swap3A_276 = arith.constant 0 : i32
          %swap3A_277 = tpu.memref_slice %run_scoped3A_8[%rem3A_195, %swap3A, %swap3A_276] : memref<2x1600x32xf32, #tpu.memory_space<vmem>> -> memref<1x1600x32xf32, #tpu.memory_space<vmem>>
          %swap3A_278 = tpu.memref_squeeze %swap3A_277 : memref<1x1600x32xf32, #tpu.memory_space<vmem>> -> memref<1600x32xf32, #tpu.memory_space<vmem>>
          %swap3A_279 = arith.index_cast %add3A_275 : i32 to index
          %swap3A_280 = arith.constant 0 : index
          %swap3A_281 = tpu.vector_load %swap3A_278[%swap3A_279, %swap3A_280] {strides = array<i32>} : memref<1600x32xf32, #tpu.memory_space<vmem>>, vector<1x16xf32>,
          %swap3A_282 = vector.shape_cast %swap3A_281 : vector<1x16xf32> to vector<16xf32>
          %swap3A_283 = vector.shape_cast %get3A_273 : vector<16xf32> to vector<1x16xf32>
          tpu.vector_store %swap3A_278[%swap3A_279, %swap3A_280], %swap3A_283 {add = true, strides = array<i32>} : memref<1600x32xf32, #tpu.memory_space<vmem>>, vector<1x16xf32>,
          %add3A_284 = arith.constant 200 : i32
          %add3A_285 = arith.addi %add3A_284, %add3A_270 : i32
          %swap3A_286 = arith.constant 0 : i32
          %swap3A_287 = arith.constant 0 : i32
          %swap3A_288 = tpu.memref_slice %run_scoped3A_8[%rem3A_195, %swap3A_286, %swap3A_287] : memref<2x1600x32xf32, #tpu.memory_space<vmem>> -> memref<1x1600x32xf32, #tpu.memory_space<vmem>>
          %swap3A_289 = tpu.memref_squeeze %swap3A_288 : memref<1x1600x32xf32, #tpu.memory_space<vmem>> -> memref<1600x32xf32, #tpu.memory_space<vmem>>
          %swap3A_290 = arith.index_cast %add3A_285 : i32 to index
          %swap3A_291 = arith.constant 0 : index
          %swap3A_292 = tpu.vector_load %swap3A_289[%swap3A_290, %swap3A_291] {strides = array<i32>} : memref<1600x32xf32, #tpu.memory_space<vmem>>, vector<1x16xf32>,
          %swap3A_293 = vector.shape_cast %swap3A_292 : vector<1x16xf32> to vector<16xf32>
          %swap3A_294 = vector.shape_cast %get3A_273 : vector<16xf32> to vector<1x16xf32>
          tpu.vector_store %swap3A_289[%swap3A_290, %swap3A_291], %swap3A_294 {add = true, strides = array<i32>} : memref<1600x32xf32, #tpu.memory_space<vmem>>, vector<1x16xf32>,
          %add3A_295 = arith.constant 400 : i32
          %add3A_296 = arith.addi %add3A_295, %add3A_270 : i32
          %swap3A_297 = arith.constant 0 : i32
          %swap3A_298 = arith.constant 0 : i32
          %swap3A_299 = tpu.memref_slice %run_scoped3A_8[%rem3A_195, %swap3A_297, %swap3A_298] : memref<2x1600x32xf32, #tpu.memory_space<vmem>> -> memref<1x1600x32xf32, #tpu.memory_space<vmem>>
          %swap3A_300 = tpu.memref_squeeze %swap3A_299 : memref<1x1600x32xf32, #tpu.memory_space<vmem>> -> memref<1600x32xf32, #tpu.memory_space<vmem>>
          %swap3A_301 = arith.index_cast %add3A_296 : i32 to index
          %swap3A_302 = arith.constant 0 : index
          %swap3A_303 = tpu.vector_load %swap3A_300[%swap3A_301, %swap3A_302] {strides = array<i32>} : memref<1600x32xf32, #tpu.memory_space<vmem>>, vector<1x16xf32>,
          %swap3A_304 = vector.shape_cast %swap3A_303 : vector<1x16xf32> to vector<16xf32>
          %swap3A_305 = vector.shape_cast %get3A_273 : vector<16xf32> to vector<1x16xf32>
          tpu.vector_store %swap3A_300[%swap3A_301, %swap3A_302], %swap3A_305 {add = true, strides = array<i32>} : memref<1600x32xf32, #tpu.memory_space<vmem>>, vector<1x16xf32>,
          %add3A_306 = arith.constant 600 : i32
          %add3A_307 = arith.addi %add3A_306, %add3A_270 : i32
          %swap3A_308 = arith.constant 0 : i32
          %swap3A_309 = arith.constant 0 : i32
          %swap3A_310 = tpu.memref_slice %run_scoped3A_8[%rem3A_195, %swap3A_308, %swap3A_309] : memref<2x1600x32xf32, #tpu.memory_space<vmem>> -> memref<1x1600x32xf32, #tpu.memory_space<vmem>>
          %swap3A_311 = tpu.memref_squeeze %swap3A_310 : memref<1x1600x32xf32, #tpu.memory_space<vmem>> -> memref<1600x32xf32, #tpu.memory_space<vmem>>
          %swap3A_312 = arith.index_cast %add3A_307 : i32 to index
          %swap3A_313 = arith.constant 0 : index
          %swap3A_314 = tpu.vector_load %swap3A_311[%swap3A_312, %swap3A_313] {strides = array<i32>} : memref<1600x32xf32, #tpu.memory_space<vmem>>, vector<1x16xf32>,
          %swap3A_315 = vector.shape_cast %swap3A_314 : vector<1x16xf32> to vector<16xf32>
          %swap3A_316 = vector.shape_cast %get3A_273 : vector<16xf32> to vector<1x16xf32>
          tpu.vector_store %swap3A_311[%swap3A_312, %swap3A_313], %swap3A_316 {add = true, strides = array<i32>} : memref<1600x32xf32, #tpu.memory_space<vmem>>, vector<1x16xf32>,
          %add3A_317 = arith.constant 800 : i32
          %add3A_318 = arith.addi %add3A_317, %add3A_270 : i32
          %swap3A_319 = arith.constant 0 : i32
          %swap3A_320 = arith.constant 0 : i32
          %swap3A_321 = tpu.memref_slice %run_scoped3A_8[%rem3A_195, %swap3A_319, %swap3A_320] : memref<2x1600x32xf32, #tpu.memory_space<vmem>> -> memref<1x1600x32xf32, #tpu.memory_space<vmem>>
          %swap3A_322 = tpu.memref_squeeze %swap3A_321 : memref<1x1600x32xf32, #tpu.memory_space<vmem>> -> memref<1600x32xf32, #tpu.memory_space<vmem>>
          %swap3A_323 = arith.index_cast %add3A_318 : i32 to index
          %swap3A_324 = arith.constant 0 : index
          %swap3A_325 = tpu.vector_load %swap3A_322[%swap3A_323, %swap3A_324] {strides = array<i32>} : memref<1600x32xf32, #tpu.memory_space<vmem>>, vector<1x16xf32>,
          %swap3A_326 = vector.shape_cast %swap3A_325 : vector<1x16xf32> to vector<16xf32>
          %swap3A_327 = vector.shape_cast %get3A_273 : vector<16xf32> to vector<1x16xf32>
          tpu.vector_store %swap3A_322[%swap3A_323, %swap3A_324], %swap3A_327 {add = true, strides = array<i32>} : memref<1600x32xf32, #tpu.memory_space<vmem>>, vector<1x16xf32>,
          %add3A_328 = arith.constant 1000 : i32
          %add3A_329 = arith.addi %add3A_328, %add3A_270 : i32
          %swap3A_330 = arith.constant 0 : i32
          %swap3A_331 = arith.constant 0 : i32
          %swap3A_332 = tpu.memref_slice %run_scoped3A_8[%rem3A_195, %swap3A_330, %swap3A_331] : memref<2x1600x32xf32, #tpu.memory_space<vmem>> -> memref<1x1600x32xf32, #tpu.memory_space<vmem>>
          %swap3A_333 = tpu.memref_squeeze %swap3A_332 : memref<1x1600x32xf32, #tpu.memory_space<vmem>> -> memref<1600x32xf32, #tpu.memory_space<vmem>>
          %swap3A_334 = arith.index_cast %add3A_329 : i32 to index
          %swap3A_335 = arith.constant 0 : index
          %swap3A_336 = tpu.vector_load %swap3A_333[%swap3A_334, %swap3A_335] {strides = array<i32>} : memref<1600x32xf32, #tpu.memory_space<vmem>>, vector<1x16xf32>,
          %swap3A_337 = vector.shape_cast %swap3A_336 : vector<1x16xf32> to vector<16xf32>
          %swap3A_338 = vector.shape_cast %get3A_273 : vector<16xf32> to vector<1x16xf32>
          tpu.vector_store %swap3A_333[%swap3A_334, %swap3A_335], %swap3A_338 {add = true, strides = array<i32>} : memref<1600x32xf32, #tpu.memory_space<vmem>>, vector<1x16xf32>,
          %add3A_339 = arith.constant 1200 : i32
          %add3A_340 = arith.addi %add3A_339, %add3A_270 : i32
          %swap3A_341 = arith.constant 0 : i32
          %swap3A_342 = arith.constant 0 : i32
          %swap3A_343 = tpu.memref_slice %run_scoped3A_8[%rem3A_195, %swap3A_341, %swap3A_342] : memref<2x1600x32xf32, #tpu.memory_space<vmem>> -> memref<1x1600x32xf32, #tpu.memory_space<vmem>>
          %swap3A_344 = tpu.memref_squeeze %swap3A_343 : memref<1x1600x32xf32, #tpu.memory_space<vmem>> -> memref<1600x32xf32, #tpu.memory_space<vmem>>
          %swap3A_345 = arith.index_cast %add3A_340 : i32 to index
          %swap3A_346 = arith.constant 0 : index
          %swap3A_347 = tpu.vector_load %swap3A_344[%swap3A_345, %swap3A_346] {strides = array<i32>} : memref<1600x32xf32, #tpu.memory_space<vmem>>, vector<1x16xf32>,
          %swap3A_348 = vector.shape_cast %swap3A_347 : vector<1x16xf32> to vector<16xf32>
          %swap3A_349 = vector.shape_cast %get3A_273 : vector<16xf32> to vector<1x16xf32>
          tpu.vector_store %swap3A_344[%swap3A_345, %swap3A_346], %swap3A_349 {add = true, strides = array<i32>} : memref<1600x32xf32, #tpu.memory_space<vmem>>, vector<1x16xf32>,
          %add3A_350 = arith.constant 1400 : i32
          %add3A_351 = arith.addi %add3A_350, %add3A_270 : i32
          %swap3A_352 = arith.constant 0 : i32
          %swap3A_353 = arith.constant 0 : i32
          %swap3A_354 = tpu.memref_slice %run_scoped3A_8[%rem3A_195, %swap3A_352, %swap3A_353] : memref<2x1600x32xf32, #tpu.memory_space<vmem>> -> memref<1x1600x32xf32, #tpu.memory_space<vmem>>
          %swap3A_355 = tpu.memref_squeeze %swap3A_354 : memref<1x1600x32xf32, #tpu.memory_space<vmem>> -> memref<1600x32xf32, #tpu.memory_space<vmem>>
          %swap3A_356 = arith.index_cast %add3A_351 : i32 to index
          %swap3A_357 = arith.constant 0 : index
          %swap3A_358 = tpu.vector_load %swap3A_355[%swap3A_356, %swap3A_357] {strides = array<i32>} : memref<1600x32xf32, #tpu.memory_space<vmem>>, vector<1x16xf32>,
          %swap3A_359 = vector.shape_cast %swap3A_358 : vector<1x16xf32> to vector<16xf32>
          %swap3A_360 = vector.shape_cast %get3A_273 : vector<16xf32> to vector<1x16xf32>
          tpu.vector_store %swap3A_355[%swap3A_356, %swap3A_357], %swap3A_360 {add = true, strides = array<i32>} : memref<1600x32xf32, #tpu.memory_space<vmem>>, vector<1x16xf32>,
          %get3A_361 = arith.index_cast %add3A_270 : i32 to index
          %get3A_362 = arith.constant 16 : index
          %get3A_363 = tpu.vector_load %arg6[%get3A_361, %get3A_362] {strides = array<i32>} : memref<200x32xf32, #tpu.memory_space<vmem>>, vector<1x16xf32>,
          %get3A_364 = vector.shape_cast %get3A_363 : vector<1x16xf32> to vector<16xf32>
          %add3A_365 = arith.constant 0 : i32
          %add3A_366 = arith.addi %add3A_365, %add3A_270 : i32
          %swap3A_367 = arith.constant 0 : i32
          %swap3A_368 = arith.constant 0 : i32
          %swap3A_369 = tpu.memref_slice %run_scoped3A_8[%rem3A_195, %swap3A_367, %swap3A_368] : memref<2x1600x32xf32, #tpu.memory_space<vmem>> -> memref<1x1600x32xf32, #tpu.memory_space<vmem>>
          %swap3A_370 = tpu.memref_squeeze %swap3A_369 : memref<1x1600x32xf32, #tpu.memory_space<vmem>> -> memref<1600x32xf32, #tpu.memory_space<vmem>>
          %swap3A_371 = arith.index_cast %add3A_366 : i32 to index
          %swap3A_372 = arith.constant 16 : index
          %swap3A_373 = tpu.vector_load %swap3A_370[%swap3A_371, %swap3A_372] {strides = array<i32>} : memref<1600x32xf32, #tpu.memory_space<vmem>>, vector<1x16xf32>,
          %swap3A_374 = vector.shape_cast %swap3A_373 : vector<1x16xf32> to vector<16xf32>
          %swap3A_375 = vector.shape_cast %get3A_364 : vector<16xf32> to vector<1x16xf32>
          tpu.vector_store %swap3A_370[%swap3A_371, %swap3A_372], %swap3A_375 {add = true, strides = array<i32>} : memref<1600x32xf32, #tpu.memory_space<vmem>>, vector<1x16xf32>,
          %add3A_376 = arith.constant 200 : i32
          %add3A_377 = arith.addi %add3A_376, %add3A_270 : i32
          %swap3A_378 = arith.constant 0 : i32
          %swap3A_379 = arith.constant 0 : i32
          %swap3A_380 = tpu.memref_slice %run_scoped3A_8[%rem3A_195, %swap3A_378, %swap3A_379] : memref<2x1600x32xf32, #tpu.memory_space<vmem>> -> memref<1x1600x32xf32, #tpu.memory_space<vmem>>
          %swap3A_381 = tpu.memref_squeeze %swap3A_380 : memref<1x1600x32xf32, #tpu.memory_space<vmem>> -> memref<1600x32xf32, #tpu.memory_space<vmem>>
          %swap3A_382 = arith.index_cast %add3A_377 : i32 to index
          %swap3A_383 = arith.constant 16 : index
          %swap3A_384 = tpu.vector_load %swap3A_381[%swap3A_382, %swap3A_383] {strides = array<i32>} : memref<1600x32xf32, #tpu.memory_space<vmem>>, vector<1x16xf32>,
          %swap3A_385 = vector.shape_cast %swap3A_384 : vector<1x16xf32> to vector<16xf32>
          %swap3A_386 = vector.shape_cast %get3A_364 : vector<16xf32> to vector<1x16xf32>
          tpu.vector_store %swap3A_381[%swap3A_382, %swap3A_383], %swap3A_386 {add = true, strides = array<i32>} : memref<1600x32xf32, #tpu.memory_space<vmem>>, vector<1x16xf32>,
          %add3A_387 = arith.constant 400 : i32
          %add3A_388 = arith.addi %add3A_387, %add3A_270 : i32
          %swap3A_389 = arith.constant 0 : i32
          %swap3A_390 = arith.constant 0 : i32
          %swap3A_391 = tpu.memref_slice %run_scoped3A_8[%rem3A_195, %swap3A_389, %swap3A_390] : memref<2x1600x32xf32, #tpu.memory_space<vmem>> -> memref<1x1600x32xf32, #tpu.memory_space<vmem>>
          %swap3A_392 = tpu.memref_squeeze %swap3A_391 : memref<1x1600x32xf32, #tpu.memory_space<vmem>> -> memref<1600x32xf32, #tpu.memory_space<vmem>>
          %swap3A_393 = arith.index_cast %add3A_388 : i32 to index
          %swap3A_394 = arith.constant 16 : index
          %swap3A_395 = tpu.vector_load %swap3A_392[%swap3A_393, %swap3A_394] {strides = array<i32>} : memref<1600x32xf32, #tpu.memory_space<vmem>>, vector<1x16xf32>,
          %swap3A_396 = vector.shape_cast %swap3A_395 : vector<1x16xf32> to vector<16xf32>
          %swap3A_397 = vector.shape_cast %get3A_364 : vector<16xf32> to vector<1x16xf32>
          tpu.vector_store %swap3A_392[%swap3A_393, %swap3A_394], %swap3A_397 {add = true, strides = array<i32>} : memref<1600x32xf32, #tpu.memory_space<vmem>>, vector<1x16xf32>,
          %add3A_398 = arith.constant 600 : i32
          %add3A_399 = arith.addi %add3A_398, %add3A_270 : i32
          %swap3A_400 = arith.constant 0 : i32
          %swap3A_401 = arith.constant 0 : i32
          %swap3A_402 = tpu.memref_slice %run_scoped3A_8[%rem3A_195, %swap3A_400, %swap3A_401] : memref<2x1600x32xf32, #tpu.memory_space<vmem>> -> memref<1x1600x32xf32, #tpu.memory_space<vmem>>
          %swap3A_403 = tpu.memref_squeeze %swap3A_402 : memref<1x1600x32xf32, #tpu.memory_space<vmem>> -> memref<1600x32xf32, #tpu.memory_space<vmem>>
          %swap3A_404 = arith.index_cast %add3A_399 : i32 to index
          %swap3A_405 = arith.constant 16 : index
          %swap3A_406 = tpu.vector_load %swap3A_403[%swap3A_404, %swap3A_405] {strides = array<i32>} : memref<1600x32xf32, #tpu.memory_space<vmem>>, vector<1x16xf32>,
          %swap3A_407 = vector.shape_cast %swap3A_406 : vector<1x16xf32> to vector<16xf32>
          %swap3A_408 = vector.shape_cast %get3A_364 : vector<16xf32> to vector<1x16xf32>
          tpu.vector_store %swap3A_403[%swap3A_404, %swap3A_405], %swap3A_408 {add = true, strides = array<i32>} : memref<1600x32xf32, #tpu.memory_space<vmem>>, vector<1x16xf32>,
          %add3A_409 = arith.constant 800 : i32
          %add3A_410 = arith.addi %add3A_409, %add3A_270 : i32
          %swap3A_411 = arith.constant 0 : i32
          %swap3A_412 = arith.constant 0 : i32
          %swap3A_413 = tpu.memref_slice %run_scoped3A_8[%rem3A_195, %swap3A_411, %swap3A_412] : memref<2x1600x32xf32, #tpu.memory_space<vmem>> -> memref<1x1600x32xf32, #tpu.memory_space<vmem>>
          %swap3A_414 = tpu.memref_squeeze %swap3A_413 : memref<1x1600x32xf32, #tpu.memory_space<vmem>> -> memref<1600x32xf32, #tpu.memory_space<vmem>>
          %swap3A_415 = arith.index_cast %add3A_410 : i32 to index
          %swap3A_416 = arith.constant 16 : index
          %swap3A_417 = tpu.vector_load %swap3A_414[%swap3A_415, %swap3A_416] {strides = array<i32>} : memref<1600x32xf32, #tpu.memory_space<vmem>>, vector<1x16xf32>,
          %swap3A_418 = vector.shape_cast %swap3A_417 : vector<1x16xf32> to vector<16xf32>
          %swap3A_419 = vector.shape_cast %get3A_364 : vector<16xf32> to vector<1x16xf32>
          tpu.vector_store %swap3A_414[%swap3A_415, %swap3A_416], %swap3A_419 {add = true, strides = array<i32>} : memref<1600x32xf32, #tpu.memory_space<vmem>>, vector<1x16xf32>,
          %add3A_420 = arith.constant 1000 : i32
          %add3A_421 = arith.addi %add3A_420, %add3A_270 : i32
          %swap3A_422 = arith.constant 0 : i32
          %swap3A_423 = arith.constant 0 : i32
          %swap3A_424 = tpu.memref_slice %run_scoped3A_8[%rem3A_195, %swap3A_422, %swap3A_423] : memref<2x1600x32xf32, #tpu.memory_space<vmem>> -> memref<1x1600x32xf32, #tpu.memory_space<vmem>>
          %swap3A_425 = tpu.memref_squeeze %swap3A_424 : memref<1x1600x32xf32, #tpu.memory_space<vmem>> -> memref<1600x32xf32, #tpu.memory_space<vmem>>
          %swap3A_426 = arith.index_cast %add3A_421 : i32 to index
          %swap3A_427 = arith.constant 16 : index
          %swap3A_428 = tpu.vector_load %swap3A_425[%swap3A_426, %swap3A_427] {strides = array<i32>} : memref<1600x32xf32, #tpu.memory_space<vmem>>, vector<1x16xf32>,
          %swap3A_429 = vector.shape_cast %swap3A_428 : vector<1x16xf32> to vector<16xf32>
          %swap3A_430 = vector.shape_cast %get3A_364 : vector<16xf32> to vector<1x16xf32>
          tpu.vector_store %swap3A_425[%swap3A_426, %swap3A_427], %swap3A_430 {add = true, strides = array<i32>} : memref<1600x32xf32, #tpu.memory_space<vmem>>, vector<1x16xf32>,
          %add3A_431 = arith.constant 1200 : i32
          %add3A_432 = arith.addi %add3A_431, %add3A_270 : i32
          %swap3A_433 = arith.constant 0 : i32
          %swap3A_434 = arith.constant 0 : i32
          %swap3A_435 = tpu.memref_slice %run_scoped3A_8[%rem3A_195, %swap3A_433, %swap3A_434] : memref<2x1600x32xf32, #tpu.memory_space<vmem>> -> memref<1x1600x32xf32, #tpu.memory_space<vmem>>
          %swap3A_436 = tpu.memref_squeeze %swap3A_435 : memref<1x1600x32xf32, #tpu.memory_space<vmem>> -> memref<1600x32xf32, #tpu.memory_space<vmem>>
          %swap3A_437 = arith.index_cast %add3A_432 : i32 to index
          %swap3A_438 = arith.constant 16 : index
          %swap3A_439 = tpu.vector_load %swap3A_436[%swap3A_437, %swap3A_438] {strides = array<i32>} : memref<1600x32xf32, #tpu.memory_space<vmem>>, vector<1x16xf32>,
          %swap3A_440 = vector.shape_cast %swap3A_439 : vector<1x16xf32> to vector<16xf32>
          %swap3A_441 = vector.shape_cast %get3A_364 : vector<16xf32> to vector<1x16xf32>
          tpu.vector_store %swap3A_436[%swap3A_437, %swap3A_438], %swap3A_441 {add = true, strides = array<i32>} : memref<1600x32xf32, #tpu.memory_space<vmem>>, vector<1x16xf32>,
          %add3A_442 = arith.constant 1400 : i32
          %add3A_443 = arith.addi %add3A_442, %add3A_270 : i32
          %swap3A_444 = arith.constant 0 : i32
          %swap3A_445 = arith.constant 0 : i32
          %swap3A_446 = tpu.memref_slice %run_scoped3A_8[%rem3A_195, %swap3A_444, %swap3A_445] : memref<2x1600x32xf32, #tpu.memory_space<vmem>> -> memref<1x1600x32xf32, #tpu.memory_space<vmem>>
          %swap3A_447 = tpu.memref_squeeze %swap3A_446 : memref<1x1600x32xf32, #tpu.memory_space<vmem>> -> memref<1600x32xf32, #tpu.memory_space<vmem>>
          %swap3A_448 = arith.index_cast %add3A_443 : i32 to index
          %swap3A_449 = arith.constant 16 : index
          %swap3A_450 = tpu.vector_load %swap3A_447[%swap3A_448, %swap3A_449] {strides = array<i32>} : memref<1600x32xf32, #tpu.memory_space<vmem>>, vector<1x16xf32>,
          %swap3A_451 = vector.shape_cast %swap3A_450 : vector<1x16xf32> to vector<16xf32>
          %swap3A_452 = vector.shape_cast %get3A_364 : vector<16xf32> to vector<1x16xf32>
          tpu.vector_store %swap3A_447[%swap3A_448, %swap3A_449], %swap3A_452 {add = true, strides = array<i32>} : memref<1600x32xf32, #tpu.memory_space<vmem>>, vector<1x16xf32>,
        }
        %scan3A_200 = arith.constant 200 : i32
        "tpu.trace_stop"() : () -> ()
        %ne3A_201 = arith.cmpi ne, %add3A_127, %add3A_145 : i32
        %or3A_202 = arith.constant false
        %or3A_203 = arith.ori %or3A_202, %ne3A_201 : i1
        %or3A_204 = arith.ori %or3A_203, %eq3A_126 : i1
        %convert_element_type3A_205 = arith.extui %or3A_204 : i1 to i32
        %cond3A_206 = arith.constant 0 : i32
        %cond3A_207 = arith.cmpi ne, %convert_element_type3A_205, %cond3A_206 : i32
        scf.if %cond3A_207 {
        } else {
        }
        %and3A_208 = arith.constant false
        %and3A_209 = arith.andi %or3A_204, %and3A_208 : i1
        %ne3A_210 = arith.cmpi ne, %add3A_127, %add3A_145 : i32
        %or3A_211 = arith.constant false
        %or3A_212 = arith.ori %or3A_211, %ne3A_210 : i1
        %or3A_213 = arith.constant false
        %or3A_214 = arith.ori %or3A_212, %or3A_213 : i1
        %or3A_215 = arith.ori %or3A_214, %eq3A_126 : i1
        %convert_element_type3A_216 = arith.extui %or3A_215 : i1 to i32
        %cond3A_217 = arith.constant 0 : i32
        %cond3A_218 = arith.cmpi ne, %convert_element_type3A_216, %cond3A_217 : i32
        scf.if %cond3A_218 {
          "tpu.trace_start"() <{level = 10 : i32, message = "ep_copy_out"}> : () -> ()
          %rem3A_266 = arith.constant 2 : i32
          %rem3A_267 = arith.remui %scan3A_120, %rem3A_266 : i32
          %mul3A_268 = arith.constant 1600 : i32
          %mul3A_269 = arith.muli %mul3A_268, %add3A_127 : i32
          %dma_start3A_270 = arith.constant 0 : i32
          %dma_start3A_271 = arith.constant 0 : i32
          %dma_start3A_272 = tpu.memref_slice %run_scoped3A_8[%rem3A_267, %dma_start3A_270, %dma_start3A_271] : memref<2x1600x32xf32, #tpu.memory_space<vmem>> -> memref<1x1600x32xf32, #tpu.memory_space<vmem>>
          %dma_start3A_273 = tpu.memref_squeeze %dma_start3A_272 : memref<1x1600x32xf32, #tpu.memory_space<vmem>> -> memref<1600x32xf32, #tpu.memory_space<vmem>>
          %dma_start3A_274 = arith.constant 0 : i32
          %dma_start3A_275 = tpu.memref_slice %arg5[%mul3A_269, %dma_start3A_274] : memref<819200x32xf32, #tpu.memory_space<hbm>> -> memref<1600x32xf32, #tpu.memory_space<hbm>>
          %dma_start3A_276 = tpu.memref_slice %run_scoped3A_9[%rem3A_267] : memref<2x!tpu.dma_semaphore, #tpu.memory_space<semaphore_mem>> -> memref<1x!tpu.dma_semaphore, #tpu.memory_space<semaphore_mem>>
          %dma_start3A_277 = tpu.memref_squeeze %dma_start3A_276 : memref<1x!tpu.dma_semaphore, #tpu.memory_space<semaphore_mem>> -> memref<!tpu.dma_semaphore, #tpu.memory_space<semaphore_mem>>
          %dma_start3A_278 = arith.constant 0 : i32
          %dma_start3A_279 = tpu.memref_slice %arg5[%mul3A_269, %dma_start3A_278] : memref<819200x32xf32, #tpu.memory_space<hbm>> -> memref<1600x32xf32, #tpu.memory_space<hbm>>
          %dma_start3A_280 = arith.constant 0 : i32
          %dma_start3A_281 = arith.constant 0 : i32
          %dma_start3A_282 = tpu.memref_slice %run_scoped3A_8[%rem3A_267, %dma_start3A_280, %dma_start3A_281] : memref<2x1600x32xf32, #tpu.memory_space<vmem>> -> memref<1x1600x32xf32, #tpu.memory_space<vmem>>
          %dma_start3A_283 = tpu.memref_squeeze %dma_start3A_282 : memref<1x1600x32xf32, #tpu.memory_space<vmem>> -> memref<1600x32xf32, #tpu.memory_space<vmem>>
          tpu.enqueue_dma source(%dma_start3A_283 : memref<1600x32xf32, #tpu.memory_space<vmem>>) target(%dma_start3A_279 : memref<1600x32xf32, #tpu.memory_space<hbm>>) target_semaphore(%dma_start3A_277 : memref<!tpu.dma_semaphore, #tpu.memory_space<semaphore_mem>>)
          "tpu.trace_stop"() : () -> ()
        } else {
        }
        %and3A_219 = arith.constant true
        %and3A_220 = arith.andi %or3A_215, %and3A_219 : i1
        %add3A_221 = arith.constant 1 : i32
        %add3A_222 = arith.addi %scan3A_120, %add3A_221 : i32
        %select_n3A_223 = arith.select %and3A_220, %add3A_222, %scan3A_120 : i32
        %ne3A_224 = arith.cmpi ne, %add3A_127, %add3A_136 : i32
        %or3A_225 = arith.constant false
        %or3A_226 = arith.ori %or3A_225, %ne3A_224 : i1
        %not3A_227 = arith.constant true
        %not3A_228 = arith.xori %eq3A_124, %not3A_227 : i1
        %and3A_229 = arith.andi %or3A_226, %not3A_228 : i1
        %convert_element_type3A_230 = arith.extui %and3A_229 : i1 to i32
        %cond3A_231 = arith.constant 0 : i32
        %cond3A_232 = arith.cmpi ne, %convert_element_type3A_230, %cond3A_231 : i32
        scf.if %cond3A_232 {
        } else {
        }
        %and3A_233 = arith.constant false
        %and3A_234 = arith.andi %and3A_229, %and3A_233 : i1
        %ne3A_235 = arith.cmpi ne, %add3A_127, %add3A_136 : i32
        %or3A_236 = arith.constant false
        %or3A_237 = arith.ori %or3A_236, %ne3A_235 : i1
        %or3A_238 = arith.constant false
        %or3A_239 = arith.ori %or3A_237, %or3A_238 : i1
        %not3A_240 = arith.constant true
        %not3A_241 = arith.xori %eq3A_124, %not3A_240 : i1
        %and3A_242 = arith.andi %or3A_239, %not3A_241 : i1
        %convert_element_type3A_243 = arith.extui %and3A_242 : i1 to i32
        %cond3A_244 = arith.constant 0 : i32
        %cond3A_245 = arith.cmpi ne, %convert_element_type3A_243, %cond3A_244 : i32
        scf.if %cond3A_245 {
          "tpu.trace_start"() <{level = 10 : i32, message = "ep_wait_out"}> : () -> ()
          %rem3A_266 = arith.constant 2 : i32
          %rem3A_267 = arith.remui %scan3A_121, %rem3A_266 : i32
          %mul3A_268 = arith.constant 1600 : i32
          %mul3A_269 = arith.muli %mul3A_268, %add3A_136 : i32
          %dma_wait3A_270 = arith.constant 0 : i32
          %dma_wait3A_271 = arith.constant 0 : i32
          %dma_wait3A_272 = tpu.memref_slice %run_scoped3A_8[%rem3A_267, %dma_wait3A_270, %dma_wait3A_271] : memref<2x1600x32xf32, #tpu.memory_space<vmem>> -> memref<1x1600x32xf32, #tpu.memory_space<vmem>>
          %dma_wait3A_273 = tpu.memref_squeeze %dma_wait3A_272 : memref<1x1600x32xf32, #tpu.memory_space<vmem>> -> memref<1600x32xf32, #tpu.memory_space<vmem>>
          %dma_wait3A_274 = arith.constant 0 : i32
          %dma_wait3A_275 = tpu.memref_slice %arg5[%mul3A_269, %dma_wait3A_274] : memref<819200x32xf32, #tpu.memory_space<hbm>> -> memref<1600x32xf32, #tpu.memory_space<hbm>>
          %dma_wait3A_276 = tpu.memref_slice %run_scoped3A_9[%rem3A_267] : memref<2x!tpu.dma_semaphore, #tpu.memory_space<semaphore_mem>> -> memref<1x!tpu.dma_semaphore, #tpu.memory_space<semaphore_mem>>
          %dma_wait3A_277 = tpu.memref_squeeze %dma_wait3A_276 : memref<1x!tpu.dma_semaphore, #tpu.memory_space<semaphore_mem>> -> memref<!tpu.dma_semaphore, #tpu.memory_space<semaphore_mem>>
          %dma_wait3A_278 = arith.constant 0 : i32
          %dma_wait3A_279 = tpu.memref_slice %arg5[%mul3A_269, %dma_wait3A_278] : memref<819200x32xf32, #tpu.memory_space<hbm>> -> memref<1600x32xf32, #tpu.memory_space<hbm>>
          %dma_wait3A_280 = arith.constant 0 : i32
          %dma_wait3A_281 = arith.constant 0 : i32
          %dma_wait3A_282 = tpu.memref_slice %run_scoped3A_8[%rem3A_267, %dma_wait3A_280, %dma_wait3A_281] : memref<2x1600x32xf32, #tpu.memory_space<vmem>> -> memref<1x1600x32xf32, #tpu.memory_space<vmem>>
          %dma_wait3A_283 = tpu.memref_squeeze %dma_wait3A_282 : memref<1x1600x32xf32, #tpu.memory_space<vmem>> -> memref<1600x32xf32, #tpu.memory_space<vmem>>
          tpu.wait_dma2 semaphore(%dma_wait3A_277 : memref<!tpu.dma_semaphore, #tpu.memory_space<semaphore_mem>>) src(%dma_wait3A_283 : memref<1600x32xf32, #tpu.memory_space<vmem>>) dst(%dma_wait3A_279 : memref<1600x32xf32, #tpu.memory_space<hbm>>)
          "tpu.trace_stop"() : () -> ()
        } else {
        }
        %and3A_246 = arith.constant true
        %and3A_247 = arith.andi %and3A_242, %and3A_246 : i1
        %add3A_248 = arith.constant 1 : i32
        %add3A_249 = arith.addi %scan3A_121, %add3A_248 : i32
        %select_n3A_250 = arith.select %and3A_247, %add3A_249, %scan3A_121 : i32
        %ne3A_251 = arith.cmpi ne, %add3A_127, %add3A_145 : i32
        %or3A_252 = arith.constant false
        %or3A_253 = arith.ori %or3A_252, %ne3A_251 : i1
        %or3A_254 = arith.ori %or3A_253, %eq3A_126 : i1
        %add3A_255 = arith.constant 1 : i32
        %add3A_256 = arith.addi %scan3A_119, %add3A_255 : i32
        %select_n3A_257 = arith.select %or3A_254, %add3A_256, %scan3A_119 : i32
        %add3A_258 = arith.constant 1 : i32
        %add3A_259 = arith.addi %scan3A_122, %add3A_258 : i32
        %select_n3A_260 = arith.constant true
        %select_n3A_261 = arith.select %select_n3A_260, %add3A_259, %scan3A_122 : i32
        %eq3A_262 = arith.constant 16 : i32
        %eq3A_263 = arith.cmpi eq, %select_n3A_261, %eq3A_262 : i32
        %select_n3A_264 = arith.constant 0 : i32
        %select_n3A_265 = arith.select %eq3A_263, %select_n3A_264, %select_n3A_261 : i32
        scf.yield %select_n3A_163, %select_n3A_257, %select_n3A_223, %select_n3A_250, %select_n3A_265 : i32, i32, i32, i32, i32
      }
      %scan3A_64 = arith.constant 16 : i32
      %sub3A = arith.constant 1 : i32
      %sub3A_65 = arith.subi %scan3A_63#4, %sub3A : i32
      %select_n3A_66 = arith.constant true
      %select_n3A_67 = arith.select %select_n3A_66, %sub3A_65, %scan3A_63#4 : i32
      %eq3A_68 = arith.constant -1 : i32
      %eq3A_69 = arith.cmpi eq, %select_n3A_67, %eq3A_68 : i32
      %select_n3A_70 = arith.constant 15 : i32
      %select_n3A_71 = arith.select %eq3A_69, %select_n3A_70, %select_n3A_67 : i32
      %add3A_72 = arith.addi %select_n3A_71, %mul3A_6 : i32
      %sub3A_73 = arith.constant 1 : i32
      %sub3A_74 = arith.subi %select_n3A_71, %sub3A_73 : i32
      %select_n3A_75 = arith.constant true
      %select_n3A_76 = arith.select %select_n3A_75, %sub3A_74, %select_n3A_71 : i32
      %eq3A_77 = arith.constant -1 : i32
      %eq3A_78 = arith.cmpi eq, %select_n3A_76, %eq3A_77 : i32
      %select_n3A_79 = arith.constant 15 : i32
      %select_n3A_80 = arith.select %eq3A_78, %select_n3A_79, %select_n3A_76 : i32
      %add3A_81 = arith.addi %select_n3A_80, %mul3A_6 : i32
      %add3A_82 = arith.constant 1 : i32
      %add3A_83 = arith.addi %select_n3A_71, %add3A_82 : i32
      %select_n3A_84 = arith.constant true
      %select_n3A_85 = arith.select %select_n3A_84, %add3A_83, %select_n3A_71 : i32
      %eq3A_86 = arith.constant 16 : i32
      %eq3A_87 = arith.cmpi eq, %select_n3A_85, %eq3A_86 : i32
      %select_n3A_88 = arith.constant 0 : i32
      %select_n3A_89 = arith.select %eq3A_87, %select_n3A_88, %select_n3A_85 : i32
      %add3A_90 = arith.addi %select_n3A_89, %mul3A_6 : i32
      %add3A_91 = arith.constant 1 : i32
      %add3A_92 = arith.addi %select_n3A_89, %add3A_91 : i32
      %select_n3A_93 = arith.constant true
      %select_n3A_94 = arith.select %select_n3A_93, %add3A_92, %select_n3A_89 : i32
      %eq3A_95 = arith.constant 16 : i32
      %eq3A_96 = arith.cmpi eq, %select_n3A_94, %eq3A_95 : i32
      %select_n3A_97 = arith.constant 0 : i32
      %select_n3A_98 = arith.select %eq3A_96, %select_n3A_97, %select_n3A_94 : i32
      %add3A_99 = arith.addi %select_n3A_98, %mul3A_6 : i32
      "tpu.trace_start"() <{level = 10 : i32, message = "ep_finalize"}> : () -> ()
      %rem3A_100 = arith.constant 2 : i32
      %rem3A_101 = arith.remui %scan3A_63#3, %rem3A_100 : i32
      %mul3A_102 = arith.constant 1600 : i32
      %mul3A_103 = arith.muli %mul3A_102, %add3A_72 : i32
      %dma_wait3A = arith.constant 0 : i32
      %dma_wait3A_104 = arith.constant 0 : i32
      %dma_wait3A_105 = tpu.memref_slice %run_scoped3A_8[%rem3A_101, %dma_wait3A, %dma_wait3A_104] : memref<2x1600x32xf32, #tpu.memory_space<vmem>> -> memref<1x1600x32xf32, #tpu.memory_space<vmem>>
      %dma_wait3A_106 = tpu.memref_squeeze %dma_wait3A_105 : memref<1x1600x32xf32, #tpu.memory_space<vmem>> -> memref<1600x32xf32, #tpu.memory_space<vmem>>
      %dma_wait3A_107 = arith.constant 0 : i32
      %dma_wait3A_108 = tpu.memref_slice %arg5[%mul3A_103, %dma_wait3A_107] : memref<819200x32xf32, #tpu.memory_space<hbm>> -> memref<1600x32xf32, #tpu.memory_space<hbm>>
      %dma_wait3A_109 = tpu.memref_slice %run_scoped3A_9[%rem3A_101] : memref<2x!tpu.dma_semaphore, #tpu.memory_space<semaphore_mem>> -> memref<1x!tpu.dma_semaphore, #tpu.memory_space<semaphore_mem>>
      %dma_wait3A_110 = tpu.memref_squeeze %dma_wait3A_109 : memref<1x!tpu.dma_semaphore, #tpu.memory_space<semaphore_mem>> -> memref<!tpu.dma_semaphore, #tpu.memory_space<semaphore_mem>>
      %dma_wait3A_111 = arith.constant 0 : i32
      %dma_wait3A_112 = tpu.memref_slice %arg5[%mul3A_103, %dma_wait3A_111] : memref<819200x32xf32, #tpu.memory_space<hbm>> -> memref<1600x32xf32, #tpu.memory_space<hbm>>
      %dma_wait3A_113 = arith.constant 0 : i32
      %dma_wait3A_114 = arith.constant 0 : i32
      %dma_wait3A_115 = tpu.memref_slice %run_scoped3A_8[%rem3A_101, %dma_wait3A_113, %dma_wait3A_114] : memref<2x1600x32xf32, #tpu.memory_space<vmem>> -> memref<1x1600x32xf32, #tpu.memory_space<vmem>>
      %dma_wait3A_116 = tpu.memref_squeeze %dma_wait3A_115 : memref<1x1600x32xf32, #tpu.memory_space<vmem>> -> memref<1600x32xf32, #tpu.memory_space<vmem>>
      tpu.wait_dma2 semaphore(%dma_wait3A_110 : memref<!tpu.dma_semaphore, #tpu.memory_space<semaphore_mem>>) src(%dma_wait3A_116 : memref<1600x32xf32, #tpu.memory_space<vmem>>) dst(%dma_wait3A_112 : memref<1600x32xf32, #tpu.memory_space<hbm>>)
      "tpu.trace_stop"() : () -> ()
      tpu.yield
    }) : () -> ()
    return
  }
}

module attributes {stable_mosaic.version = 14 : i64} {
  func.func @tc_body(%arg0: i32, %arg1: i32, %arg2: memref<512x8x32xf32, #tpu.memory_space<vmem>>, %arg3: memref<8x32x512xf32, #tpu.memory_space<vmem>>) attributes {dimension_semantics = [#tpu.dimension_semantics<arbitrary>, #tpu.dimension_semantics<arbitrary>], iteration_bounds = array<i64: 8, 25>, scalar_prefetch = 0 : i64, scratch_operands = 0 : i64, tpu.core_type = #tpu.core_type<tc>, window_params = [{transform_indices = @transform_0, window_bounds = array<i64: 512, 8, 32>}, {transform_indices = @transform_1, window_bounds = array<i64: 8, 32, 512>}]} {
    %get3A = arith.constant 0 : index
    %get3A_0 = arith.constant 0 : index
    %get3A_1 = arith.constant 0 : index
    %get3A_2 = vector.load %arg2[%get3A, %get3A_0, %get3A_1] : memref<512x8x32xf32, #tpu.memory_space<vmem>>, vector<512x8x32xf32>
    %transpose3A = tpu.transpose %get3A_2, [1, 2, 0] : vector<512x8x32xf32> -> vector<8x32x512xf32>
    %swap3A = arith.constant 0 : index
    %swap3A_3 = arith.constant 0 : index
    %swap3A_4 = arith.constant 0 : index
    %swap3A_5 = vector.load %arg3[%swap3A, %swap3A_3, %swap3A_4] : memref<8x32x512xf32, #tpu.memory_space<vmem>>, vector<8x32x512xf32>
    tpu.vector_store %arg3[%swap3A, %swap3A_3, %swap3A_4], %transpose3A {strides = array<i32>} : memref<8x32x512xf32, #tpu.memory_space<vmem>>, vector<8x32x512xf32>,
    return
  }
  func.func @transform_0(%arg0: i32, %arg1: i32) -> (i32, i32, i32) {
    %c0_i32 = arith.constant 0 : i32
    %c0_i32_0 = arith.constant 0 : i32
    return %arg0, %arg1, %c0_i32 : i32, i32, i32
  }
  func.func @transform_1(%arg0: i32, %arg1: i32) -> (i32, i32, i32) {
    %c0_i32 = arith.constant 0 : i32
    %c0_i32_0 = arith.constant 0 : i32
    return %arg1, %c0_i32, %arg0 : i32, i32, i32
  }
}

</mosaic_0001>

<sc_bundles>
// kernel: kernel.4.cloned.1.call-start
scs
__scs_entry_jumppad:
0x0: {  	(pc) =	sbr.rel $0x88, $3  }
0x1: {  	(tag) =	ssettag $0x0;
	lr =	simm.s32 $0x1  }
0x2: {  	[smem:$0x3F9E] =	sst lr;
	_ =	strace $0xD0000000  }
0x3: {  	_ = 	snop  }
0x4: {  	_ = 	snop  }
0x5: {  	_ = 	snop  }
0x6: {  	_ = 	snop  }
0x7: {  	_ = 	snop  }
__scs_overlays_trampoline_lowered:
0x8: {  	[smem:$0x3FAD] =	sst s0  }
0x9: {  	[smem:$0x3FAE] =	sst s1  }
0xa: {  	[smem:$0x3FAF] =	sst s2  }
0xb: {  	[smem:$0x3FB0] =	sst s3  }
0xc: {  	[smem:$0x3FB1] =	sst s4  }
0xd: {  	[smem:$0x3FB2] =	sst s5  }
0xe: {  	[smem:$0x3FB3] =	sst s6  }
0xf: {  	[smem:$0x3FB4] =	sst s7  }
0x10: {  	[smem:$0x3FB5] =	sst s8  }
0x11: {  	[smem:$0x3FB6] =	sst s9;
	s0 =	simm.s32 @!p0 $0x0  }
0x12: {  	s1 =	sld [smem:$0x3F9C];
	s0 =	simm.s32 @p0 $0x1  }
0x13: {  	[smem:$0x3FB7] =	sst s0;
	s0 =	simm.s32 @!p1 $0x0  }
0x14: {  	s2 =	sld [smem:$0x3F9B];
	s0 =	simm.s32 @p1 $0x1  }
0x15: {  	[smem:$0x3FB8] =	sst s0;
	s0 =	simm.s32 @!p2 $0x0  }
0x16: {  	s3 =	sld [smem:$0x3FDB];
	s0 =	simm.s32 @p2 $0x1  }
0x17: {  	s4 =	simm.s32 $0x1BF5;
	[smem:$0x3FBA] =	sst s0  }
0x18: {  	s0 =	sld [smem:$0x3F9D];
	_ =	swait.ge [sflag:s4], $0x0  }
0x19: {  	s7 =	sld [smem:$0x3F9E]  }
0x1a: {  	s8 =	sadd.s32 $0xFFFFE003, lr  }
0x1b: {  	s9 =	sadd.s32 $0xFFFFFEF7, lr;
	s5 =	simm.s32 $0xFFFFFFFF;
	p2 =	slt.u32 s8, $0xFFFFF086  }
0x1c: {  	p1 =	slt.u32 s9, $0xF7A;
	s5 =	simm.s32 @!p2 $0x0  }
0x1d: {  	s5 =	simm.s32 @p1 $0x1;
	p0 =	seq.s32 s7, s2  }
0x1e: {  	s7 =	smul.u32 @!p0 $0xF7A, s2;
	p2 =	seq.s32 @!p0 s5, $0x0  }
0x1f: {  	s9 =	smul.u32 $0xF7A, s1;
	s8 =	simm.s32 @!p0 $0x1BF5;
	p2 =	por !p2, p0  }
0x20: {  	[sflag:s8] =	ssyncset.s32 @!p0 $0xFFFFF086;
	s6 =	sadd.s32 @!p0 s3, s7;
	s7 =	simm.s32 @!p0 $0x108  }
0x21: {  	s3 =	sadd.s32 s3, s9;
	s6 =	sadd.s32 @!p0 $0x88, s6;
	s7 =	simm.s32 @p2 $0x1082  }
0x22: {  	[simem:s7], [sflag:s8] =	dma.local @!p0 [hbm:s6], $0xF7A  }
0x23: {  	s9 =	sor.u32 $0xD0000000, s2;
	s6 =	simm.s32 $0x108;
	_ =	swait.ge @!p0 [sflag:s8], $0x0  }
0x24: {  	s3 =	sadd.s32 $0x88, s3;
	s6 =	simm.s32 @!p1 $0x1082;
	[sflag:s4] =	ssyncset.s32 $0xFFFFF086  }
0x25: {  	[simem:s6], [sflag:s4] =	dma.local [hbm:s3], $0xF7A  }
0x26: {  	[smem:$0x3F9E] =	sst s1;
	(tag) =	ssettag s2;
	_ =	strace s9  }
0x27: {  	s1 =	sld [smem:$0x3FAE]  }
0x28: {  	s2 =	sld [smem:$0x3FAF]  }
0x29: {  	s4 =	sld [smem:$0x3FB1]  }
0x2a: {  	p0 =	seq.s32 s5, $0x0;
	s5 =	sld [smem:$0x3FB2]  }
0x2b: {  	s6 =	sld [smem:$0x3FB3]  }
0x2c: {  	s7 =	sld [smem:$0x3FB4]  }
0x2d: {  	s3 =	simm.s32 $0x108;
	s8 =	sld [smem:$0x3FB5]  }
0x2e: {  	s3 =	simm.s32 @!p0 $0x1082;
	s9 =	sld [smem:$0x3FB6]  }
0x2f: {  	lr =	sadd.s32 s0, s3;
	s0 =	sld [smem:$0x3FAD]  }
0x30: {  	s3 =	sld [smem:$0x3FB0]  }
0x31: {  	[smem:$0x3FB9] =	sst s10  }
0x32: {  	s10 =	sld [smem:$0x3FB7];
	_ =	sdelay $0x3  }
0x33: {  	p0 =	seq.s32 s10, $0x1;
	s10 =	sld [smem:$0x3FB9];
	_ =	sdelay $0x3  }
0x34: {  	[smem:$0x3FB9] =	sst s10  }
0x35: {  	s10 =	sld [smem:$0x3FB8];
	_ =	sdelay $0x3  }
0x36: {  	p1 =	seq.s32 s10, $0x1;
	s10 =	sld [smem:$0x3FB9];
	_ =	sdelay $0x3  }
0x37: {  	[smem:$0x3FB9] =	sst s10  }
0x38: {  	s10 =	sld [smem:$0x3FBA]  }
0x39: {  	_ = 	snop;
	(pc) =	sbr.ind lr, $3  }
0x3a: {  	_ = 	snop  }
0x3b: {  	_ = 	snop  }
0x3c: {  	p2 =	seq.s32 s10, $0x1;
	s10 =	sld [smem:$0x3FB9]  }
0x3d: {  	_ =	shalt  }
0x3e: {  	_ =	shalt  }
0x3f: {  	_ =	shalt  }
0x40: {  	_ =	shalt  }
0x41: {  	_ =	shalt  }
0x42: {  	_ =	shalt  }
0x43: {  	_ =	shalt  }
0x44: {  	_ =	shalt  }
0x45: {  	_ =	shalt  }
0x46: {  	_ =	shalt  }
0x47: {  	_ =	shalt  }
0x48: {  	_ =	shalt  }
0x49: {  	_ =	shalt  }
0x4a: {  	_ =	shalt  }
0x4b: {  	_ =	shalt  }
0x4c: {  	_ =	shalt  }
0x4d: {  	_ =	shalt  }
0x4e: {  	_ =	shalt  }
0x4f: {  	_ =	shalt  }
0x50: {  	_ =	shalt  }
0x51: {  	_ =	shalt  }
0x52: {  	_ =	shalt  }
0x53: {  	_ =	shalt  }
0x54: {  	_ =	shalt  }
0x55: {  	_ =	shalt  }
0x56: {  	_ =	shalt  }
0x57: {  	_ =	shalt  }
0x58: {  	_ =	shalt  }
0x59: {  	_ =	shalt  }
0x5a: {  	_ =	shalt  }
0x5b: {  	_ =	shalt  }
0x5c: {  	_ =	shalt  }
0x5d: {  	_ =	shalt  }
0x5e: {  	_ =	shalt  }
0x5f: {  	_ =	shalt  }
0x60: {  	_ =	shalt  }
0x61: {  	_ =	shalt  }
0x62: {  	_ =	shalt  }
0x63: {  	_ =	shalt  }
0x64: {  	_ =	shalt  }
0x65: {  	_ =	shalt  }
0x66: {  	_ =	shalt  }
0x67: {  	_ =	shalt  }
0x68: {  	_ =	shalt  }
0x69: {  	_ =	shalt  }
0x6a: {  	_ =	shalt  }
0x6b: {  	_ =	shalt  }
0x6c: {  	_ =	shalt  }
0x6d: {  	_ =	shalt  }
0x6e: {  	_ =	shalt  }
0x6f: {  	_ =	shalt  }
0x70: {  	_ =	shalt  }
0x71: {  	_ =	shalt  }
0x72: {  	_ =	shalt  }
0x73: {  	_ =	shalt  }
0x74: {  	_ =	shalt  }
0x75: {  	_ =	shalt  }
0x76: {  	_ =	shalt  }
0x77: {  	_ =	shalt  }
0x78: {  	_ =	shalt  }
0x79: {  	_ =	shalt  }
0x7a: {  	_ =	shalt  }
0x7b: {  	_ =	shalt  }
0x7c: {  	_ =	shalt  }
0x7d: {  	_ =	shalt  }
0x7e: {  	_ =	shalt  }
0x7f: {  	_ =	shalt  }
0x80: {  	_ =	shalt  }
0x81: {  	_ =	shalt  }
0x82: {  	_ =	shalt  }
0x83: {  	_ =	shalt  }
0x84: {  	_ =	shalt  }
0x85: {  	_ =	shalt  }
0x86: {  	_ =	shalt  }
0x87: {  	_ =	shalt  }
.Lfunc_end0:
.L_simem_size_0:
called_computation_lowered:
.L_overlay_start_0:
0x88: {  	s2 =	sld [smem:$0x3FD9]  }
0x89: {  	s3 =	sld [smem:$0x3FFE];
	_ =	sdelay $0x1  }
0x8a: {  	s1 =	srdreg.scid  }
0x8b: {  	s0 =	sand.u32 $0x1, s1  }
0x8c: {  	s17 =	sshll.u32 s0, $0xA;
	s2 =	sadd.s32 s3, s2  }
0x8d: {  	s2 =	sadd.s32 s2, s17  }
0x8e: {  	[smem:$0x3FC5] =	sst s2  }
0x8f: {  	_ = 	snop  }
0x90: {  	s2 =	sld [smem:$0x3FD0];
	(tm) =	ssettm $0x1  }
0x91: {  	s18 =	sld [smem:$0x3FFB];
	_ =	sdelay $0x3  }
0x92: {  	_ =	strace s18  }
0x93: {  	s3 =	sld [smem:$0x3FFC];
	_ =	sdelay $0x3  }
0x94: {  	_ =	strace s3  }
0x95: {  	s3 =	sld [smem:$0x3FFD];
	_ =	sdelay $0x3  }
0x96: {  	_ =	strace s3  }
0x97: {  	_ =	strace $0x8FFFFFFF  }
0x98: {  	s19 =	sld [smem:$0x3FDB];
	_ =	sdelay $0x1  }
0x99: {  	s4 =	simm.s32 $_scs_section_size  }
0x9a: {  	s5 =	simm.s32 $_size__tile_overlayer_lowered;
	s6 =	simm.s32 $_tile_overlayer_lowered  }
0x9b: {  	s22 =	simm.s32 $0x1BFF;
	s21 =	sshll.u32 s6, $0x1;
	s3 =	sadd.s32 s4, s19  }
0x9c: {  	s7 =	simm.s32 $0x0;
	s20 =	sshll.u32 s5, $0x1;
	s5 =	sadd.s32 s21, s3  }
0x9d: {  	[timem:s7], [sflag:s22] =	dma.local [hbm:s5], s20  }
0x9e: {  	_ =	swait.ge [sflag:s22], s20  }
0x9f: {  	s4 =	ssub.s32 $0x0, s20;
	[sflag:s22] =	ssyncset.done $0x0  }
0xa0: {  	[sflag:s22] =	ssyncadd.s32 s4;
	_ =	sdelay $0x1  }
0xa1: {  	s23 =	simm.s32 $0x1B8B  }
0xa2: {  	_ =	swait.ge [sflag:s23], $0x1  }
0xa3: {  	[sflag:s23] =	ssyncset.done $0x0  }
0xa4: {  	s25 =	simm.s32 $0x1B8E;
	s24 =	sld [smem:$0x3FFE];
	[sflag:s23] =	ssyncadd.s32 $0xFFFFFFFF  }
0xa5: {  	s26 =	simm.s32 $execute0_lowered;
	[smem:$0x3FD2] =	sst s25  }
0xa6: {  	s5 =	sshll.u32 s26, $0x1;
	_ =	strace $0x80000046;
	[dreg:$0x1] =	wrdreg $0xFFFFFFFF  }
0xa7: {  	s28 =	simm.s32 $_size_execute0_lowered;
	s3 =	sadd.s32 s3, s5;
	[dreg:$0x0] =	wrdreg $0x0  }
0xa8: {  	s5 =	sshll.u32 s28, $0x1;
	[dreg:$0x2] =	wrdreg s3  }
0xa9: {  	[dreg:$0x3] =	wrdreg s5  }
0xaa: {  	[dreg:$0x4] =	wrdreg $0xC0  }
0xab: {  	_ =	task [dreg:s7], $0x5FFFF  }
0xac: {  	[dreg:$0x1] =	wrdreg $0xFFFFFFFF  }
0xad: {  	[dreg:$0x0] =	wrdreg $0x60  }
0xae: {  	[dreg:$0x2] =	wrdreg s24  }
0xaf: {  	[dreg:$0x3] =	wrdreg s2  }
0xb0: {  	[dreg:$0x4] =	wrdreg $0x9  }
0xb1: {  	_ =	task.clear_ibuf [dreg:s7], $0x5FFFF;
	_ =	strace $0x90000046  }
0xb2: {  	s29 =	simm.s32 $0x9;
	_ =	strace $0x8000004F  }
0xb3: {  	_ =	swait.ge [sflag:s29], $0x1  }
0xb4: {  	[sflag:s29] =	ssyncadd.s32 $0xFFFFFFFF  }
0xb5: {  	_ =	strace $0x9000004F  }
0xb6: {  	_ =	sfence  }
0xb7: {  	s30 =	sld [smem:$0x0];
	_ =	sdelay $0x2  }
0xb8: {  	s31 =	sshll.u32 s1, $0xD;
	s1 =	sshrl.u32 s1, $0x2  }
0xb9: {  	s3 =	sand.u32 $0x4000, s31;
	s1 =	sadd.s32 s1, s30  }
0xba: {  	s0 =	sor.u32 s3, s0;
	s1 =	sshll.u32 s1, $0x11  }
0xbb: {  	s0 =	sor.u32 s1, s0  }
0xbc: {  	s0 =	sadd.s32 $0x8F2B, s0  }
0xbd: {  	[sflag:s0] =	ssyncadd.remote.s32 $0x1  }
0xbe: {  	_ =	sfence.sel $0xFFFF  }
0xbf: {  	[dreg:$0x0] =	wrdreg $0xFFFFFFFF;
	(pc) =	sbr.abs _section_cstart, $3  }
0xc0: {  	[dreg:$0x1] =	wrdreg $0xFFFFFFFF  }
0xc1: {  	_ =	task.clear_ibuf [dreg:s7], $0x2FFFF;
	_ =	strace $0x9FFFFFFF  }
0xc2: {  	(tm) =	ssettm $0x7FFFFFFF  }
0xc3: {  	_ =	shalt  }
tec
execute0_lowered:
.L_overlay_start_1:
0x0: {  	(tag) =	ssettag $0x1  }
0x1: {  	s6 =	rddreg [dreg:$0x0]  }
0x2: {  	s1 =	rddreg [dreg:$0x1];
	s2 =	srdreg.scid  }
0x3: {  	s0 =	rddreg [dreg:$0x2];
	s3 =	simm.s32 $0x0;
	s11 =	simm.s32 $0x640  }
0x4: {  	s12 =	simm.s32 $0x5;
	s13 =	simm.s32 $0x1;
	s14 =	simm.s32 $0x4  }
0x5: {  	s15 =	simm.s32 $0x0;
	s4 =	sand.u32 $0x1, s2;
	[smem:$0x7FF] =	sst s3  }
0x6: {  	s2 =	stileid.u32;
	s5 =	sshll.u32 s4, $0x4;
	_ =	strace $0x80000047  }
0x7: {  	s7 =	ssub.s32 $0x2, s4;
	s4 =	sadd.s32 $0xF42C00, s6;
	s8 =	sor.u32 s2, s5  }
0x8: {  	s9 =	sshrl.u32 s7, $0x1;
	s5 =	sadd.s32 $0x800, s6;
	s10 =	smul.u32 $0xC80, s8  }
0x9: {  	s6 =	sadd.s32 $0x19800, s6;
	s9 =	ssub.s32 s7, s9;
	s7 =	sshll.u32 s8, $0x4  }
0xa: {  	s9 =	smax.u32 s9, $0x1;
	s8 =	sadd.s32 s5, s10;
	s10 =	simm.s32 $0x1900  }
.LBB2_1:
0xb: {  	[tilespmem:s3], [sflag:$0x1] =	stream.linear.gather [hbm4b:s6+s3], $0x1900, $0x38;
	[tilespmem:$0x1B580] =	vst v63  }
0xc: {  	_ =	swait.ge [sflag:s13], $0x1900  }
0xd: {  	[sflag:s13] =	ssyncset.done $0x0  }
0xe: {  	s16 =	simm.s32 $0x0;
	s17 =	simm.s32 $0x0;
	[sflag:s13] =	ssyncadd.s32 $0xFFFFE700  }
0xf: {  	s18 =	simm.s32 $0x0;
	s19 =	simm.s32 $0x0;
	_ =	strace $0x80000048  }
0x10: {  	[tilespmem:s10], [sflag:$0x1] =	stream.linear.gather [hbm4b:s8+s3], $0x640, $0x200038;
	[tilespmem:$0x1B580] =	vst v63  }
0x11: {  	s20 =	simm.s32 $0x1;
	s21 =	simm.s32 $0x0;
	_ =	strace $0x90000048  }
.LBB2_2:
0x12: {  	s24 =	smov.u32 s16;
	s16 =	sadd.s32 $0x1, s16  }
0x13: {  	p0 =	seq.s32 s16, $0x10  }
0x14: {  	s16 =	simm.s32 @p0 $0x0  }
0x15: {  	p6 =	sne.s32 s21, $0xF;
	p1 =	sne.s32 s24, s16  }
0x16: {  	p0 =	por !p6, !p1  }
0x17: {  	p0 =	por !p0, !p0  }
0x18: {  	s22 =	sand.u32 @p0 $0x1, s20  }
0x19: {  	s25 =	sadd.s32 @p0 s7, s16;
	s23 =	smul.u32 @p0 $0x1900, s22  }
0x1a: {  	s25 =	smul.u32 @p0 $0x640, s25  }
0x1b: {  	_ =	strace @p0 $0x80000049  }
0x1c: {  	s26 =	simm.s32 @p0 $0x0;
	s23 =	sshrl.u32 @p0 s23, $0x2;
	s25 =	sshrl.u32 @p0 s25, $0x3  }
0x1d: {  	s22 =	sadd.s32 @p0 $0x1, s22;
	s23 =	sadd.s32 @p0 $0x1900, s23;
	s25 =	sadd.s32 @p0 s5, s25  }
0x1e: {  	[tilespmem:s23], [sflag:s22] =	stream.linear.gather @p0 [hbm4b:s25+s26], $0x640, $0x200038;
	[tilespmem:$0x1B580] =	vst v63  }
0x1f: {  	s26 =	sand.u32 $0x1, s19;
	_ =	strace @p0 $0x90000049  }
0x20: {  	s29 =	sadd.s32 $0x1, s26;
	_ =	strace $0x8000004A  }
0x21: {  	s22 =	sand.u32 $0x1, s18;
	_ =	swait.ge [sflag:s29], $0x640  }
0x22: {  	s30 =	smul.u32 $0x32000, s22;
	[sflag:s29] =	ssyncset.done $0x0  }
0x23: {  	s25 =	simm.s32 $0x1F40;
	[sflag:s29] =	ssyncadd.s32 $0xFFFFF9C0  }
0x24: {  	p2 =	seq.s32 s26, $0x1;
	s31 =	sshrl.u32 s30, $0x2;
	_ =	strace $0x9000004A  }
0x25: {  	s25 =	simm.s32 @!p2 $0x1900;
	s23 =	sadd.s32 $0x2580, s31;
	_ =	strace $0x8000004B  }
0x26: {  	[tilespmem:s23], [sflag:$0x5] =	stream.indirect.gather [hbm4b:s4+s11], $0x20, s25, s11, $0x2000b8;
	[tilespmem:$0x1B580] =	vst v63  }
0x27: {  	_ =	swait.ge [sflag:s12], $0xC800  }
0x28: {  	[sflag:s12] =	ssyncset.done $0x0  }
0x29: {  	s28 =	simm.s32 $0x0;
	[sflag:s12] =	ssyncadd.s32 $0xFFFF3800  }
0x2a: {  	v0 =	vld [tilespmem:s28+$0x0];
	_ =	sdelay $0x3  }
0x2b: {  	s25 =	sadd.s32 $0x0, s23  }
0x2c: {  	[tilespmem:s25+$0x6400] =	vst.add.f32.msk $0xffff, v0  }
0x2d: {  	[tilespmem:s25+$0x4B00] =	vst.add.f32.msk $0xffff, v0  }
0x2e: {  	[tilespmem:s25+$0x3200] =	vst.add.f32.msk $0xffff, v0  }
0x2f: {  	[tilespmem:s25+$0x0] =	vst.add.f32.msk $0xffff, v0  }
0x30: {  	s24 =	sadd.s32 s7, s24;
	s26 =	simm.s32 $0x80;
	[tilespmem:s25+$0x1900] =	vst.add.f32.msk $0xffff, v0  }
.LBB2_3:
0x31: {  	p2 =	sne.s32 s26, $0x6380;
	[tilespmem:s25+$0x7D00] =	vst.add.f32.msk $0xffff, v0;
	s29 =	smov.u32 s26;
	s26 =	sadd.s32 $0x80, s26  }
0x32: {  	[tilespmem:s25+$0x9600] =	vst.add.f32.msk $0xffff, v0  }
0x33: {  	[tilespmem:s25+$0xAF00] =	vst.add.f32.msk $0xffff, v0  }
0x34: {  	v0 =	vld [tilespmem:s28+$0x10];
	_ =	sdelay $0x4  }
0x35: {  	[tilespmem:s25+$0x10] =	vst.add.f32.msk $0xffff, v0  }
0x36: {  	[tilespmem:s25+$0xAF10] =	vst.add.f32.msk $0xffff, v0  }
0x37: {  	[tilespmem:s25+$0x9610] =	vst.add.f32.msk $0xffff, v0  }
0x38: {  	[tilespmem:s25+$0x7D10] =	vst.add.f32.msk $0xffff, v0  }
0x39: {  	[tilespmem:s25+$0x6410] =	vst.add.f32.msk $0xffff, v0  }
0x3a: {  	[tilespmem:s25+$0x4B10] =	vst.add.f32.msk $0xffff, v0  }
0x3b: {  	s28 =	sshra.s32 s29, $0x2;
	[tilespmem:s25+$0x3210] =	vst.add.f32.msk $0xffff, v0  }
0x3c: {  	[tilespmem:s25+$0x1910] =	vst.add.f32.msk $0xffff, v0  }
0x3d: {  	v0 =	vld [tilespmem:s28+$0x0];
	_ =	sdelay $0x2  }
0x3e: {  	s25 =	sadd.s32 s28, s23;
	_ =	sdelay $0x1  }
.Ltmp0:
0x3f: {  	[tilespmem:s25+$0x6400] =	vst.add.f32.msk $0xffff, v0;
	(pc) =	sbr.rel @p2 .LBB2_3-.Ltmp0, $4  }
0x40: {  	[tilespmem:s25+$0x4B00] =	vst.add.f32.msk $0xffff, v0  }
0x41: {  	[tilespmem:s25+$0x3200] =	vst.add.f32.msk $0xffff, v0  }
0x42: {  	[tilespmem:s25+$0x0] =	vst.add.f32.msk $0xffff, v0  }
0x43: {  	[tilespmem:s25+$0x1900] =	vst.add.f32.msk $0xffff, v0  }
0x44: {  	[tilespmem:s25+$0x7D00] =	vst.add.f32.msk $0xffff, v0  }
0x45: {  	[tilespmem:s25+$0x9600] =	vst.add.f32.msk $0xffff, v0  }
0x46: {  	[tilespmem:s25+$0xAF00] =	vst.add.f32.msk $0xffff, v0  }
0x47: {  	v0 =	vld [tilespmem:s28+$0x10];
	_ =	sdelay $0x4  }
0x48: {  	[tilespmem:s25+$0x10] =	vst.add.f32.msk $0xffff, v0  }
0x49: {  	[tilespmem:s25+$0xAF10] =	vst.add.f32.msk $0xffff, v0  }
0x4a: {  	[tilespmem:s25+$0x9610] =	vst.add.f32.msk $0xffff, v0  }
0x4b: {  	p2 =	seq.s32 s21, $0xF;
	[tilespmem:s25+$0x7D10] =	vst.add.f32.msk $0xffff, v0  }
0x4c: {  	p1 =	por p2, p1;
	[tilespmem:s25+$0x6410] =	vst.add.f32.msk $0xffff, v0  }
0x4d: {  	s24 =	smul.u32 @p1 $0xC800, s24;
	[tilespmem:s25+$0x4B10] =	vst.add.f32.msk $0xffff, v0  }
0x4e: {  	[tilespmem:s25+$0x3210] =	vst.add.f32.msk $0xffff, v0  }
0x4f: {  	s22 =	sadd.s32 @p1 $0x3, s22;
	s26 =	simm.s32 @p1 $0x0;
	s24 =	sshrl.u32 @p1 s24, $0x3;
	[tilespmem:s25+$0x1910] =	vst.add.f32.msk $0xffff, v0  }
0x50: {  	s24 =	sadd.s32 @p1 s1, s24;
	s25 =	simm.s32 $0x1;
	_ =	strace $0x9000004B  }
0x51: {  	s25 =	simm.s32 @!p0 $0x0;
	p0 =	seq.s32 s21, $0x0;
	_ =	strace @p1 $0x8000004C  }
0x52: {  	[hbm4b:s24+s26] =	stream.linear.scatter @p1 [tilespmem:s23], [sflag:s22], $0xC800, $0x200038;
	[tilespmem:$0x1B580] =	vst v63  }
0x53: {  	s22 =	simm.s32 $0x1;
	s24 =	simm.s32 $0x1;
	_ =	strace @p1 $0x9000004C  }
0x54: {  	s22 =	simm.s32 @!p1 $0x0;
	p1 =	sne.s32 s21, $0x0;
	s21 =	sadd.s32 $0x1, s21  }
0x55: {  	s23 =	sand.u32 @!p0 $0x1, s17;
	s24 =	simm.s32 @!p1 $0x0;
	p1 =	sne.s32 s21, $0x10  }
.Ltmp1:
0x56: {  	s23 =	sadd.s32 @!p0 $0x3, s23;
	_ =	strace @!p0 $0x8000004D;
	(pc) =	sbr.rel @p1 .LBB2_2-.Ltmp1, $4  }
0x57: {  	_ =	swait.ge @!p0 [sflag:s23], $0xC800  }
0x58: {  	[sflag:s23] =	ssyncset.done @!p0 $0x0  }
0x59: {  	s20 =	sadd.s32 s25, s20;
	s18 =	sadd.s32 s22, s18;
	[sflag:s23] =	ssyncadd.s32 @!p0 $0xFFFF3800  }
0x5a: {  	s19 =	sadd.s32 s22, s19;
	s17 =	sadd.s32 s24, s17;
	_ =	strace @!p0 $0x9000004D  }
0x5b: {  	s15 =	sadd.s32 $0x1, s15  }
0x5c: {  	p0 =	sne.s32 s15, s9  }
.Ltmp2:
0x5d: {  	_ =	strace $0x8000004E;
	(pc) =	sbr.rel @p0 .LBB2_1-.Ltmp2, $4  }
0x5e: {  	_ =	swait.ge [sflag:s14], $0xC800  }
0x5f: {  	[sflag:s14] =	ssyncset.done $0x0  }
0x60: {  	[sflag:s14] =	ssyncadd.s32 $0xFFFF3800  }
0x61: {  	_ =	strace $0x9000004E  }
0x62: {  	_ =	sfence.sel $0x180000  }
0x63: {  	[bflag:$0x0] =	sbarrier.arrive $0xFFFF  }
0x64: {  	p0 =	sne.s32 s2, $0x0;
	_ =	strace $0x90000047  }
0x65: {  	s0 =	sadd.s32 @!p0 $0x100000, s0;
	[bflag:$0x2] =	sbarrier.arrive $0xFFFF  }
0x66: {  	[sflag:s0] =	ssyncadd.tile.s32 @!p0 $0x1;
	_ =	shalt  }
.Lfunc_end2:
_tile_overlayer_lowered:
.L_overlay_start_2:
0x67: {  	(tag) =	ssettag $0x2  }
0x68: {  	s0 =	rddreg [dreg:$0x0];
	s2 =	stileid.u32  }
0x69: {  	s1 =	rddreg [dreg:$0x1];
	p0 =	sne.s32 s2, $0x0  }
0x6a: {  	s3 =	rddreg [dreg:$0x2];
	[bflag:$0x3] =	sbarrier.arrive $0xFFFF;
	s2 =	simm.s32 @!p0 $0x1C01  }
0x6b: {  	[timem:s3], [sflag:s2] =	dma.local @!p0 [hbm:s0], s1  }
0x6c: {  	s0 =	simm.s32 @!p0 $0x1  }
0x6d: {  	_ =	swait.ge @!p0 [sflag:s0], s1  }
0x6e: {  	s1 =	ssub.s32 @!p0 $0x0, s1;
	[sflag:s0] =	ssyncset.done @!p0 $0x0  }
0x6f: {  	[sflag:s0] =	ssyncadd.s32 @!p0 s1  }
0x70: {  	[bflag:$0x3] =	sbarrier.arrive $0xFFFF  }
0x71: {  	_ =	shalt  }

</sc_bundles>
